<compile_context>
chip_gen: v7x
topology: tpu7x:2x2x1
jax: 0.10.2.dev20260603
libtpu: 0.0.44.dev20260713+nightly
codegen_flags: <defaults>
</compile_context>

<pallas_src>
import functools
import math

import jax
import jax.numpy as jnp
from jax import lax
from jax.experimental import pallas as pl
from jax.experimental.pallas import tpu as pltpu
from jax.experimental.pallas import tpu_sc as plsc

K = 8
NPTS = 10000
NRAY = 8
NCAND = 16
L = 16
NWORK = 32
BIG = 3.0e38
EPS = 1e-05
CONE2_LOOSE = 0.7498
ENC_BASE = 1.0e16
ENC_STEP = 1.1e9


def _sc_search_body(pxh, pyh, pzh, oxh, oyh, ozh, rdxh, rdyh, rdzh, c0h,
                    oidx_h, ogx_h, ogy_h, ogz_h,
                    px_v, py_v, pz_v, ox_v, oy_v, oz_v,
                    rdx_v, rdy_v, rdz_v, c0_v,
                    oi_v, ogx_v, ogy_v, ogz_v):
    nc = plsc.get_sparse_core_info().num_cores
    wid = lax.axis_index("s") * nc + lax.axis_index("c")
    f0 = wid * 16
    r0 = wid * 128

    pltpu.sync_copy(pxh, px_v)
    pltpu.sync_copy(pyh, py_v)
    pltpu.sync_copy(pzh, pz_v)
    pltpu.sync_copy(oxh.at[pl.ds(f0, 16)], ox_v)
    pltpu.sync_copy(oyh.at[pl.ds(f0, 16)], oy_v)
    pltpu.sync_copy(ozh.at[pl.ds(f0, 16)], oz_v)
    pltpu.sync_copy(rdxh.at[pl.ds(r0, 128)], rdx_v)
    pltpu.sync_copy(rdyh.at[pl.ds(r0, 128)], rdy_v)
    pltpu.sync_copy(rdzh.at[pl.ds(r0, 128)], rdz_v)
    pltpu.sync_copy(c0h.at[pl.ds(r0, 128)], c0_v)

    ila = lax.iota(jnp.int32, L)

    def origin_body(fl, carry):
        ox = ox_v[fl]
        oy = oy_v[fl]
        oz = oz_v[fl]
        rdxs = [rdx_v[fl * NRAY + r] for r in range(NRAY)]
        rdys = [rdy_v[fl * NRAY + r] for r in range(NRAY)]
        rdzs = [rdz_v[fl * NRAY + r] for r in range(NRAY)]
        c0s = [c0_v[fl * NRAY + r] for r in range(NRAY)]

        t0 = tuple(jnp.full((L,), BIG, jnp.float32) for _ in range(NRAY))
        ti0 = tuple(jnp.zeros((L,), jnp.int32) for _ in range(NRAY))

        def chunk_body(j, tcarry):
            ts, tis = tcarry
            base = pl.multiple_of(j * L, L)
            px = px_v[pl.ds(base, L)]
            py = py_v[pl.ds(base, L)]
            pz = pz_v[pl.ds(base, L)]
            ddx = px - ox
            ddy = py - oy
            ddz = pz - oz
            d2 = ddx * ddx + ddy * ddy + ddz * ddz
            thr2 = CONE2_LOOSE * d2
            idxi = ila + base
            enc = ENC_BASE + idxi.astype(jnp.float32) * ENC_STEP
            nts, ntis = [], []
            for r in range(NRAY):
                dot = rdxs[r] * px + rdys[r] * py + rdzs[r] * pz - c0s[r]
                t2 = dot * dot
                s = d2 - t2
                keep = (dot >= 0.0) & (t2 >= thr2)
                val = jnp.where(keep, s, enc)
                vk, vi = plsc.sort_key_val(val, idxi, descending=True)
                cmp = ts[r] <= vk
                tn = jnp.where(cmp, ts[r], vk)
                tin = jnp.where(cmp, tis[r], vi)
                sk, si = plsc.sort_key_val(tn, tin, descending=False)
                nts.append(sk)
                ntis.append(si)
            return (tuple(nts), tuple(ntis))

        ts, tis = lax.fori_loop(0, NPTS // L, chunk_body, (t0, ti0))

        for r in range(NRAY):
            row = fl * NRAY + r
            oi_v[row] = tis[r]
            ogx_v[row] = plsc.load_gather(px_v, [tis[r]])
            ogy_v[row] = plsc.load_gather(py_v, [tis[r]])
            ogz_v[row] = plsc.load_gather(pz_v, [tis[r]])
        return carry

    lax.fori_loop(0, 16, origin_body, 0)

    pltpu.sync_copy(oi_v, oidx_h.at[pl.ds(r0, 128)])
    pltpu.sync_copy(ogx_v, ogx_h.at[pl.ds(r0, 128)])
    pltpu.sync_copy(ogy_v, ogy_h.at[pl.ds(r0, 128)])
    pltpu.sync_copy(ogz_v, ogz_h.at[pl.ds(r0, 128)])


def _rescore_body(ro_ref, rd_ref, ci_ref, cx_ref, cy_ref, cz_ref,
                  dist_ref, idx_ref, gx_ref, gy_ref, gz_ref):
    ox = ro_ref[:, 0:1]
    oy = ro_ref[:, 1:2]
    oz = ro_ref[:, 2:3]
    dx = cx_ref[...] - ox
    dy = cy_ref[...] - oy
    dz = cz_ref[...] - oz
    dn = jnp.sqrt(dx * dx + dy * dy + dz * dz)
    m = jnp.maximum(dn, 1e-12)
    ux = dx / m
    uy = dy / m
    uz = dz / m
    cos = rd_ref[:, 0:1] * ux + rd_ref[:, 1:2] * uy + rd_ref[:, 2:3] * uz
    om = 1.0 - cos * cos
    sin = jnp.sqrt(jnp.maximum(om, 1e-12))
    proj = sin * dn
    val = jnp.where(cos < 0.866, 1e8, proj)

    ci = ci_ref[...]
    cx = cx_ref[...]
    cy = cy_ref[...]
    cz = cz_ref[...]
    mvs, ams, gxs, gys, gzs = [], [], [], [], []
    for _ in range(K):
        mv = jnp.min(val, axis=1, keepdims=True)
        eqm = val == mv
        am = jnp.min(jnp.where(eqm, ci, NPTS), axis=1, keepdims=True)
        sel = eqm & (ci == am)
        gxs.append(jnp.min(jnp.where(sel, cx, BIG), axis=1, keepdims=True))
        gys.append(jnp.min(jnp.where(sel, cy, BIG), axis=1, keepdims=True))
        gzs.append(jnp.min(jnp.where(sel, cz, BIG), axis=1, keepdims=True))
        mvs.append(mv)
        ams.append(am)
        val = jnp.where(sel, BIG, val)

    dist_ref[...] = jnp.concatenate(mvs, axis=1)
    idx_ref[...] = jnp.concatenate(ams, axis=1)
    gx_ref[...] = jnp.concatenate(gxs, axis=1) - ox
    gy_ref[...] = jnp.concatenate(gys, axis=1) - oy
    gz_ref[...] = jnp.concatenate(gzs, axis=1) - oz


def kernel(ray_o, ray_d, pts):
    FTR = ray_o.shape[0]
    nrays = FTR * NRAY

    rdn = ray_d / jnp.maximum(jnp.linalg.norm(ray_d, axis=-1, keepdims=True), 1e-12)
    rdf = rdn.reshape(nrays, 3)
    ro_ray = jnp.repeat(ray_o, NRAY, axis=0)
    c0 = jnp.sum(rdf * ro_ray, axis=-1)

    px = pts[:, 0]
    py = pts[:, 1]
    pz = pts[:, 2]
    oxs = jnp.broadcast_to(ray_o[:, 0:1], (FTR, L))
    oys = jnp.broadcast_to(ray_o[:, 1:2], (FTR, L))
    ozs = jnp.broadcast_to(ray_o[:, 2:3], (FTR, L))
    rdxs = jnp.broadcast_to(rdf[:, 0:1], (nrays, L))
    rdys = jnp.broadcast_to(rdf[:, 1:2], (nrays, L))
    rdzs = jnp.broadcast_to(rdf[:, 2:3], (nrays, L))
    c0s = jnp.broadcast_to(c0[:, None], (nrays, L))

    mesh = plsc.VectorSubcoreMesh(core_axis_name="c", subcore_axis_name="s")
    sc_search = pl.kernel(
        _sc_search_body,
        out_type=[
            jax.ShapeDtypeStruct((nrays, NCAND), jnp.int32),
            jax.ShapeDtypeStruct((nrays, NCAND), jnp.float32),
            jax.ShapeDtypeStruct((nrays, NCAND), jnp.float32),
            jax.ShapeDtypeStruct((nrays, NCAND), jnp.float32),
        ],
        mesh=mesh,
        compiler_params=pltpu.CompilerParams(
            needs_layout_passes=False, use_tc_tiling_on_sc=False),
        scratch_types=[
            pltpu.VMEM((NPTS,), jnp.float32),
            pltpu.VMEM((NPTS,), jnp.float32),
            pltpu.VMEM((NPTS,), jnp.float32),
            pltpu.VMEM((16, L), jnp.float32),
            pltpu.VMEM((16, L), jnp.float32),
            pltpu.VMEM((16, L), jnp.float32),
            pltpu.VMEM((128, L), jnp.float32),
            pltpu.VMEM((128, L), jnp.float32),
            pltpu.VMEM((128, L), jnp.float32),
            pltpu.VMEM((128, L), jnp.float32),
            pltpu.VMEM((128, NCAND), jnp.int32),
            pltpu.VMEM((128, NCAND), jnp.float32),
            pltpu.VMEM((128, NCAND), jnp.float32),
            pltpu.VMEM((128, NCAND), jnp.float32),
        ],
    )
    cidx, cgx, cgy, cgz = sc_search(px, py, pz, oxs, oys, ozs,
                                    rdxs, rdys, rdzs, c0s)

    ro4 = jnp.pad(ro_ray, ((0, 0), (0, 1)))
    rd4 = jnp.pad(rdf, ((0, 0), (0, 1)))
    oshape = jax.ShapeDtypeStruct((nrays, K), jnp.float32)
    dist, idx, gx, gy, gz = pl.pallas_call(
        _rescore_body,
        out_shape=(oshape, jax.ShapeDtypeStruct((nrays, K), jnp.int32),
                   oshape, oshape, oshape),
    )(ro4, rd4, cidx, cgx, cgy, cgz)

    dist = dist.reshape(FTR, NRAY, K)
    idx = idx.reshape(FTR, NRAY, K)
    gx = gx.reshape(FTR, NRAY, K)
    gy = gy.reshape(FTR, NRAY, K)
    gz = gz.reshape(FTR, NRAY, K)

    npd = jnp.sqrt(gx * gx + gy * gy + gz * gz)[..., None]
    elev = jnp.arccos(gz[..., None] / (npd + EPS))
    azim = jnp.arccos(gx[..., None] / (npd * jnp.sin(elev) + EPS))
    azim = jnp.where(gy[..., None] < 0.0, 2.0 * math.pi - azim, azim)
    hit_sky = dist >= (1e8 - 1)
    return dist, idx, hit_sky, npd, elev, azim

# --- scband reference (transcript-rebuilt; emitter-appended) ---
"""Pipeline reference for scband-ray-sampler-25177098289575 (READ-ONLY COPY).

The authoritative reference and input builder live on the scoring server;
editing this copy changes nothing except your own understanding.
"""

import jax, jax.numpy as jnp
import numpy as np
import math

K_CLOSEST = 8

def setup_inputs(seed: int = 0) -> dict:
    key = jax.random.key(seed)
    k1, k2, k3 = jax.random.split(key, 3)
    ray_o = jax.random.normal(k1, (512, 3), dtype=jnp.float32) * 10.0
    ray_d = jax.random.normal(k2, (512, 8, 3), dtype=jnp.float32)
    pts = jax.random.normal(k3, (10000, 3), dtype=jnp.float32) * 50.0
    return {"ray_o": ray_o, "ray_d": ray_d, "pts": pts}

def reference(ray_o, ray_d, pts):
    # Faithful translation of RaySampler.Initialization core (ablation, rx->pts branch):
    # project every point onto every ray, mask points outside a 30-degree cone,
    # take K_closest smallest projected distances, gather those points, and
    # compute distance / elevation / azimuth features.
    eps = 1e-05
    K = K_CLOSEST
    FTR = ray_o.shape[0]
    n_rays = ray_d.shape[1]
    # ray_d in the original is built from unit sphere samples / angles -> unit norm
    ray_d = ray_d / jnp.maximum(jnp.linalg.norm(ray_d, axis=-1, keepdims=True), 1e-12)
    # diff: [FTR, 1, n_pts, 3]  (pts[None,:,:,:] - ray_o[:,:,None,:] in torch)
    diff = pts[None, None, :, :] - ray_o[:, None, None, :]
    dnorm = jnp.linalg.norm(diff, axis=-1)  # [FTR, 1, n_pts]
    unit = diff / jnp.maximum(dnorm[..., None], 1e-12)  # F.normalize
    # cosphi: [FTR, n_rays, n_pts]
    cosphi = jnp.sum(ray_d[:, :, None, :] * unit, axis=-1)
    sinphi = jnp.sqrt(jnp.clip(1.0 - cosphi * cosphi, 1e-12, None))
    proj = sinphi * dnorm
    proj = jnp.where(cosphi < 0.866, 1e8, proj)
    # torch.topk(largest=False) == negate + lax.top_k, ascending order
    neg_vals, nearest_idx = jax.lax.top_k(-proj, K)
    nearest_dist = -neg_vals  # [FTR, n_rays, K]
    hit_sky = nearest_dist >= (1e8 - 1)
    # gather nearest points relative to ray origin
    gathered = pts[nearest_idx] - ray_o[:, None, None, :]  # [FTR, n_rays, K, 3]
    npd = jnp.linalg.norm(gathered, axis=-1)[..., None]  # nearest_pts_distance
    elev = jnp.arccos(gathered[..., 2:3] / (npd + eps))
    azim = jnp.arccos(gathered[..., 0:1] / (npd * jnp.sin(elev) + eps))
    azim = jnp.where(gathered[..., 1:2] < 0.0, 2.0 * math.pi - azim, azim)
    return nearest_dist, nearest_idx, hit_sky, npd, elev, azim

if __name__ == "__main__":
    import jax
    _d = setup_inputs()
    print(jax.jit(kernel)(*tuple(_d.values())))

</pallas_src>

<mosaic_0001>
#map = affine_map<(d0, d1) -> (0)>
#map1 = affine_map<(d0, d1) -> (0, 0)>
module attributes {stable_mosaic.version = 14 : i64} {
  func.func @_sc_search_body(%arg0: i32, %arg1: i32, %arg2: memref<10000xf32, #tpu.memory_space<hbm>>, %arg3: memref<10000xf32, #tpu.memory_space<hbm>>, %arg4: memref<10000xf32, #tpu.memory_space<hbm>>, %arg5: memref<512x16xf32, #tpu.memory_space<hbm>>, %arg6: memref<512x16xf32, #tpu.memory_space<hbm>>, %arg7: memref<512x16xf32, #tpu.memory_space<hbm>>, %arg8: memref<4096x16xf32, #tpu.memory_space<hbm>>, %arg9: memref<4096x16xf32, #tpu.memory_space<hbm>>, %arg10: memref<4096x16xf32, #tpu.memory_space<hbm>>, %arg11: memref<4096x16xf32, #tpu.memory_space<hbm>>, %arg12: memref<4096x16xi32, #tpu.memory_space<hbm>>, %arg13: memref<4096x16xf32, #tpu.memory_space<hbm>>, %arg14: memref<4096x16xf32, #tpu.memory_space<hbm>>, %arg15: memref<4096x16xf32, #tpu.memory_space<hbm>>, %arg16: memref<10000xf32, #tpu.memory_space<vmem>>, %arg17: memref<10000xf32, #tpu.memory_space<vmem>>, %arg18: memref<10000xf32, #tpu.memory_space<vmem>>, %arg19: memref<16x16xf32, #tpu.memory_space<vmem>>, %arg20: memref<16x16xf32, #tpu.memory_space<vmem>>, %arg21: memref<16x16xf32, #tpu.memory_space<vmem>>, %arg22: memref<128x16xf32, #tpu.memory_space<vmem>>, %arg23: memref<128x16xf32, #tpu.memory_space<vmem>>, %arg24: memref<128x16xf32, #tpu.memory_space<vmem>>, %arg25: memref<128x16xf32, #tpu.memory_space<vmem>>, %arg26: memref<128x16xi32, #tpu.memory_space<vmem>>, %arg27: memref<128x16xf32, #tpu.memory_space<vmem>>, %arg28: memref<128x16xf32, #tpu.memory_space<vmem>>, %arg29: memref<128x16xf32, #tpu.memory_space<vmem>>) attributes {dimension_semantics = [#tpu.dimension_semantics<core_parallel>, #tpu.dimension_semantics<subcore_parallel>], iteration_bounds = array<i64: 2, 16>, scalar_prefetch = 0 : i64, scratch_operands = 14 : i64, tpu.core_type = #tpu.core_type<sc_vector_subcore>, window_params = [{transform_indices = #map}, {transform_indices = #map}, {transform_indices = #map}, {transform_indices = #map1}, {transform_indices = #map1}, {transform_indices = #map1}, {transform_indices = #map1}, {transform_indices = #map1}, {transform_indices = #map1}, {transform_indices = #map1}, {transform_indices = #map1}, {transform_indices = #map1}, {transform_indices = #map1}, {transform_indices = #map1}]} {
    %mul3A = arith.constant 2 : i32
    %mul3A_0 = arith.muli %arg1, %mul3A : i32
    %add3A = arith.addi %mul3A_0, %arg0 : i32
    %mul3A_1 = arith.constant 16 : i32
    %mul3A_2 = arith.muli %add3A, %mul3A_1 : i32
    %mul3A_3 = arith.constant 128 : i32
    %mul3A_4 = arith.muli %add3A, %mul3A_3 : i32
    "tpu.region"() ({
      %run_scoped3A = tpu.sem_alloc : memref<!tpu.dma_semaphore, #tpu.memory_space<semaphore_mem>>
      tpu.enqueue_dma source(%arg2 : memref<10000xf32, #tpu.memory_space<hbm>>) target(%arg16 : memref<10000xf32, #tpu.memory_space<vmem>>) target_semaphore(%run_scoped3A : memref<!tpu.dma_semaphore, #tpu.memory_space<semaphore_mem>>)
      tpu.wait_dma2 semaphore(%run_scoped3A : memref<!tpu.dma_semaphore, #tpu.memory_space<semaphore_mem>>) src(%arg2 : memref<10000xf32, #tpu.memory_space<hbm>>) dst(%arg16 : memref<10000xf32, #tpu.memory_space<vmem>>)
      tpu.yield
    }) : () -> ()
    "tpu.region"() ({
      %run_scoped3A = tpu.sem_alloc : memref<!tpu.dma_semaphore, #tpu.memory_space<semaphore_mem>>
      tpu.enqueue_dma source(%arg3 : memref<10000xf32, #tpu.memory_space<hbm>>) target(%arg17 : memref<10000xf32, #tpu.memory_space<vmem>>) target_semaphore(%run_scoped3A : memref<!tpu.dma_semaphore, #tpu.memory_space<semaphore_mem>>)
      tpu.wait_dma2 semaphore(%run_scoped3A : memref<!tpu.dma_semaphore, #tpu.memory_space<semaphore_mem>>) src(%arg3 : memref<10000xf32, #tpu.memory_space<hbm>>) dst(%arg17 : memref<10000xf32, #tpu.memory_space<vmem>>)
      tpu.yield
    }) : () -> ()
    "tpu.region"() ({
      %run_scoped3A = tpu.sem_alloc : memref<!tpu.dma_semaphore, #tpu.memory_space<semaphore_mem>>
      tpu.enqueue_dma source(%arg4 : memref<10000xf32, #tpu.memory_space<hbm>>) target(%arg18 : memref<10000xf32, #tpu.memory_space<vmem>>) target_semaphore(%run_scoped3A : memref<!tpu.dma_semaphore, #tpu.memory_space<semaphore_mem>>)
      tpu.wait_dma2 semaphore(%run_scoped3A : memref<!tpu.dma_semaphore, #tpu.memory_space<semaphore_mem>>) src(%arg4 : memref<10000xf32, #tpu.memory_space<hbm>>) dst(%arg18 : memref<10000xf32, #tpu.memory_space<vmem>>)
      tpu.yield
    }) : () -> ()
    "tpu.region"() ({
      %run_scoped3A = tpu.sem_alloc : memref<!tpu.dma_semaphore, #tpu.memory_space<semaphore_mem>>
      %dma_start3A = arith.constant 0 : i32
      %dma_start3A_10 = tpu.memref_slice %arg5[%mul3A_2, %dma_start3A] : memref<512x16xf32, #tpu.memory_space<hbm>> -> memref<16x16xf32, #tpu.memory_space<hbm>>
      %dma_start3A_11 = arith.constant 0 : i32
      %dma_start3A_12 = tpu.memref_slice %arg5[%mul3A_2, %dma_start3A_11] : memref<512x16xf32, #tpu.memory_space<hbm>> -> memref<16x16xf32, #tpu.memory_space<hbm>>
      tpu.enqueue_dma source(%dma_start3A_12 : memref<16x16xf32, #tpu.memory_space<hbm>>) target(%arg19 : memref<16x16xf32, #tpu.memory_space<vmem>>) target_semaphore(%run_scoped3A : memref<!tpu.dma_semaphore, #tpu.memory_space<semaphore_mem>>)
      %dma_wait3A = arith.constant 0 : i32
      %dma_wait3A_13 = tpu.memref_slice %arg5[%mul3A_2, %dma_wait3A] : memref<512x16xf32, #tpu.memory_space<hbm>> -> memref<16x16xf32, #tpu.memory_space<hbm>>
      %dma_wait3A_14 = arith.constant 0 : i32
      %dma_wait3A_15 = tpu.memref_slice %arg5[%mul3A_2, %dma_wait3A_14] : memref<512x16xf32, #tpu.memory_space<hbm>> -> memref<16x16xf32, #tpu.memory_space<hbm>>
      tpu.wait_dma2 semaphore(%run_scoped3A : memref<!tpu.dma_semaphore, #tpu.memory_space<semaphore_mem>>) src(%dma_wait3A_15 : memref<16x16xf32, #tpu.memory_space<hbm>>) dst(%arg19 : memref<16x16xf32, #tpu.memory_space<vmem>>)
      tpu.yield
    }) : () -> ()
    "tpu.region"() ({
      %run_scoped3A = tpu.sem_alloc : memref<!tpu.dma_semaphore, #tpu.memory_space<semaphore_mem>>
      %dma_start3A = arith.constant 0 : i32
      %dma_start3A_10 = tpu.memref_slice %arg6[%mul3A_2, %dma_start3A] : memref<512x16xf32, #tpu.memory_space<hbm>> -> memref<16x16xf32, #tpu.memory_space<hbm>>
      %dma_start3A_11 = arith.constant 0 : i32
      %dma_start3A_12 = tpu.memref_slice %arg6[%mul3A_2, %dma_start3A_11] : memref<512x16xf32, #tpu.memory_space<hbm>> -> memref<16x16xf32, #tpu.memory_space<hbm>>
      tpu.enqueue_dma source(%dma_start3A_12 : memref<16x16xf32, #tpu.memory_space<hbm>>) target(%arg20 : memref<16x16xf32, #tpu.memory_space<vmem>>) target_semaphore(%run_scoped3A : memref<!tpu.dma_semaphore, #tpu.memory_space<semaphore_mem>>)
      %dma_wait3A = arith.constant 0 : i32
      %dma_wait3A_13 = tpu.memref_slice %arg6[%mul3A_2, %dma_wait3A] : memref<512x16xf32, #tpu.memory_space<hbm>> -> memref<16x16xf32, #tpu.memory_space<hbm>>
      %dma_wait3A_14 = arith.constant 0 : i32
      %dma_wait3A_15 = tpu.memref_slice %arg6[%mul3A_2, %dma_wait3A_14] : memref<512x16xf32, #tpu.memory_space<hbm>> -> memref<16x16xf32, #tpu.memory_space<hbm>>
      tpu.wait_dma2 semaphore(%run_scoped3A : memref<!tpu.dma_semaphore, #tpu.memory_space<semaphore_mem>>) src(%dma_wait3A_15 : memref<16x16xf32, #tpu.memory_space<hbm>>) dst(%arg20 : memref<16x16xf32, #tpu.memory_space<vmem>>)
      tpu.yield
    }) : () -> ()
    "tpu.region"() ({
      %run_scoped3A = tpu.sem_alloc : memref<!tpu.dma_semaphore, #tpu.memory_space<semaphore_mem>>
      %dma_start3A = arith.constant 0 : i32
      %dma_start3A_10 = tpu.memref_slice %arg7[%mul3A_2, %dma_start3A] : memref<512x16xf32, #tpu.memory_space<hbm>> -> memref<16x16xf32, #tpu.memory_space<hbm>>
      %dma_start3A_11 = arith.constant 0 : i32
      %dma_start3A_12 = tpu.memref_slice %arg7[%mul3A_2, %dma_start3A_11] : memref<512x16xf32, #tpu.memory_space<hbm>> -> memref<16x16xf32, #tpu.memory_space<hbm>>
      tpu.enqueue_dma source(%dma_start3A_12 : memref<16x16xf32, #tpu.memory_space<hbm>>) target(%arg21 : memref<16x16xf32, #tpu.memory_space<vmem>>) target_semaphore(%run_scoped3A : memref<!tpu.dma_semaphore, #tpu.memory_space<semaphore_mem>>)
      %dma_wait3A = arith.constant 0 : i32
      %dma_wait3A_13 = tpu.memref_slice %arg7[%mul3A_2, %dma_wait3A] : memref<512x16xf32, #tpu.memory_space<hbm>> -> memref<16x16xf32, #tpu.memory_space<hbm>>
      %dma_wait3A_14 = arith.constant 0 : i32
      %dma_wait3A_15 = tpu.memref_slice %arg7[%mul3A_2, %dma_wait3A_14] : memref<512x16xf32, #tpu.memory_space<hbm>> -> memref<16x16xf32, #tpu.memory_space<hbm>>
      tpu.wait_dma2 semaphore(%run_scoped3A : memref<!tpu.dma_semaphore, #tpu.memory_space<semaphore_mem>>) src(%dma_wait3A_15 : memref<16x16xf32, #tpu.memory_space<hbm>>) dst(%arg21 : memref<16x16xf32, #tpu.memory_space<vmem>>)
      tpu.yield
    }) : () -> ()
    "tpu.region"() ({
      %run_scoped3A = tpu.sem_alloc : memref<!tpu.dma_semaphore, #tpu.memory_space<semaphore_mem>>
      %dma_start3A = arith.constant 0 : i32
      %dma_start3A_10 = tpu.memref_slice %arg8[%mul3A_4, %dma_start3A] : memref<4096x16xf32, #tpu.memory_space<hbm>> -> memref<128x16xf32, #tpu.memory_space<hbm>>
      %dma_start3A_11 = arith.constant 0 : i32
      %dma_start3A_12 = tpu.memref_slice %arg8[%mul3A_4, %dma_start3A_11] : memref<4096x16xf32, #tpu.memory_space<hbm>> -> memref<128x16xf32, #tpu.memory_space<hbm>>
      tpu.enqueue_dma source(%dma_start3A_12 : memref<128x16xf32, #tpu.memory_space<hbm>>) target(%arg22 : memref<128x16xf32, #tpu.memory_space<vmem>>) target_semaphore(%run_scoped3A : memref<!tpu.dma_semaphore, #tpu.memory_space<semaphore_mem>>)
      %dma_wait3A = arith.constant 0 : i32
      %dma_wait3A_13 = tpu.memref_slice %arg8[%mul3A_4, %dma_wait3A] : memref<4096x16xf32, #tpu.memory_space<hbm>> -> memref<128x16xf32, #tpu.memory_space<hbm>>
      %dma_wait3A_14 = arith.constant 0 : i32
      %dma_wait3A_15 = tpu.memref_slice %arg8[%mul3A_4, %dma_wait3A_14] : memref<4096x16xf32, #tpu.memory_space<hbm>> -> memref<128x16xf32, #tpu.memory_space<hbm>>
      tpu.wait_dma2 semaphore(%run_scoped3A : memref<!tpu.dma_semaphore, #tpu.memory_space<semaphore_mem>>) src(%dma_wait3A_15 : memref<128x16xf32, #tpu.memory_space<hbm>>) dst(%arg22 : memref<128x16xf32, #tpu.memory_space<vmem>>)
      tpu.yield
    }) : () -> ()
    "tpu.region"() ({
      %run_scoped3A = tpu.sem_alloc : memref<!tpu.dma_semaphore, #tpu.memory_space<semaphore_mem>>
      %dma_start3A = arith.constant 0 : i32
      %dma_start3A_10 = tpu.memref_slice %arg9[%mul3A_4, %dma_start3A] : memref<4096x16xf32, #tpu.memory_space<hbm>> -> memref<128x16xf32, #tpu.memory_space<hbm>>
      %dma_start3A_11 = arith.constant 0 : i32
      %dma_start3A_12 = tpu.memref_slice %arg9[%mul3A_4, %dma_start3A_11] : memref<4096x16xf32, #tpu.memory_space<hbm>> -> memref<128x16xf32, #tpu.memory_space<hbm>>
      tpu.enqueue_dma source(%dma_start3A_12 : memref<128x16xf32, #tpu.memory_space<hbm>>) target(%arg23 : memref<128x16xf32, #tpu.memory_space<vmem>>) target_semaphore(%run_scoped3A : memref<!tpu.dma_semaphore, #tpu.memory_space<semaphore_mem>>)
      %dma_wait3A = arith.constant 0 : i32
      %dma_wait3A_13 = tpu.memref_slice %arg9[%mul3A_4, %dma_wait3A] : memref<4096x16xf32, #tpu.memory_space<hbm>> -> memref<128x16xf32, #tpu.memory_space<hbm>>
      %dma_wait3A_14 = arith.constant 0 : i32
      %dma_wait3A_15 = tpu.memref_slice %arg9[%mul3A_4, %dma_wait3A_14] : memref<4096x16xf32, #tpu.memory_space<hbm>> -> memref<128x16xf32, #tpu.memory_space<hbm>>
      tpu.wait_dma2 semaphore(%run_scoped3A : memref<!tpu.dma_semaphore, #tpu.memory_space<semaphore_mem>>) src(%dma_wait3A_15 : memref<128x16xf32, #tpu.memory_space<hbm>>) dst(%arg23 : memref<128x16xf32, #tpu.memory_space<vmem>>)
      tpu.yield
    }) : () -> ()
    "tpu.region"() ({
      %run_scoped3A = tpu.sem_alloc : memref<!tpu.dma_semaphore, #tpu.memory_space<semaphore_mem>>
      %dma_start3A = arith.constant 0 : i32
      %dma_start3A_10 = tpu.memref_slice %arg10[%mul3A_4, %dma_start3A] : memref<4096x16xf32, #tpu.memory_space<hbm>> -> memref<128x16xf32, #tpu.memory_space<hbm>>
      %dma_start3A_11 = arith.constant 0 : i32
      %dma_start3A_12 = tpu.memref_slice %arg10[%mul3A_4, %dma_start3A_11] : memref<4096x16xf32, #tpu.memory_space<hbm>> -> memref<128x16xf32, #tpu.memory_space<hbm>>
      tpu.enqueue_dma source(%dma_start3A_12 : memref<128x16xf32, #tpu.memory_space<hbm>>) target(%arg24 : memref<128x16xf32, #tpu.memory_space<vmem>>) target_semaphore(%run_scoped3A : memref<!tpu.dma_semaphore, #tpu.memory_space<semaphore_mem>>)
      %dma_wait3A = arith.constant 0 : i32
      %dma_wait3A_13 = tpu.memref_slice %arg10[%mul3A_4, %dma_wait3A] : memref<4096x16xf32, #tpu.memory_space<hbm>> -> memref<128x16xf32, #tpu.memory_space<hbm>>
      %dma_wait3A_14 = arith.constant 0 : i32
      %dma_wait3A_15 = tpu.memref_slice %arg10[%mul3A_4, %dma_wait3A_14] : memref<4096x16xf32, #tpu.memory_space<hbm>> -> memref<128x16xf32, #tpu.memory_space<hbm>>
      tpu.wait_dma2 semaphore(%run_scoped3A : memref<!tpu.dma_semaphore, #tpu.memory_space<semaphore_mem>>) src(%dma_wait3A_15 : memref<128x16xf32, #tpu.memory_space<hbm>>) dst(%arg24 : memref<128x16xf32, #tpu.memory_space<vmem>>)
      tpu.yield
    }) : () -> ()
    "tpu.region"() ({
      %run_scoped3A = tpu.sem_alloc : memref<!tpu.dma_semaphore, #tpu.memory_space<semaphore_mem>>
      %dma_start3A = arith.constant 0 : i32
      %dma_start3A_10 = tpu.memref_slice %arg11[%mul3A_4, %dma_start3A] : memref<4096x16xf32, #tpu.memory_space<hbm>> -> memref<128x16xf32, #tpu.memory_space<hbm>>
      %dma_start3A_11 = arith.constant 0 : i32
      %dma_start3A_12 = tpu.memref_slice %arg11[%mul3A_4, %dma_start3A_11] : memref<4096x16xf32, #tpu.memory_space<hbm>> -> memref<128x16xf32, #tpu.memory_space<hbm>>
      tpu.enqueue_dma source(%dma_start3A_12 : memref<128x16xf32, #tpu.memory_space<hbm>>) target(%arg25 : memref<128x16xf32, #tpu.memory_space<vmem>>) target_semaphore(%run_scoped3A : memref<!tpu.dma_semaphore, #tpu.memory_space<semaphore_mem>>)
      %dma_wait3A = arith.constant 0 : i32
      %dma_wait3A_13 = tpu.memref_slice %arg11[%mul3A_4, %dma_wait3A] : memref<4096x16xf32, #tpu.memory_space<hbm>> -> memref<128x16xf32, #tpu.memory_space<hbm>>
      %dma_wait3A_14 = arith.constant 0 : i32
      %dma_wait3A_15 = tpu.memref_slice %arg11[%mul3A_4, %dma_wait3A_14] : memref<4096x16xf32, #tpu.memory_space<hbm>> -> memref<128x16xf32, #tpu.memory_space<hbm>>
      tpu.wait_dma2 semaphore(%run_scoped3A : memref<!tpu.dma_semaphore, #tpu.memory_space<semaphore_mem>>) src(%dma_wait3A_15 : memref<128x16xf32, #tpu.memory_space<hbm>>) dst(%arg25 : memref<128x16xf32, #tpu.memory_space<vmem>>)
      tpu.yield
    }) : () -> ()
    %iota3A = tpu.iota {dimensions = array<i32: 0>} : vector<16xi32>
    %scan3A = arith.constant 0 : i32
    %scan3A_5 = arith.constant 0 : i32
    %scan3A_6 = arith.constant 16 : i32
    %scan3A_7 = arith.addi %scan3A_5, %scan3A_6 : i32
    %scan3A_8 = arith.constant 1 : i32
    scf.for %scan3A_10 = %scan3A_5 to %scan3A_7 step %scan3A_8  : i32 {
      %get3A = arith.index_cast %scan3A_10 : i32 to index
      %get3A_11 = arith.constant 0 : index
      %get3A_12 = tpu.vector_load %arg19[%get3A, %get3A_11] {strides = array<i32>} : memref<16x16xf32, #tpu.memory_space<vmem>>, vector<16xf32>,
      %get3A_13 = arith.index_cast %scan3A_10 : i32 to index
      %get3A_14 = arith.constant 0 : index
      %get3A_15 = tpu.vector_load %arg20[%get3A_13, %get3A_14] {strides = array<i32>} : memref<16x16xf32, #tpu.memory_space<vmem>>, vector<16xf32>,
      %get3A_16 = arith.index_cast %scan3A_10 : i32 to index
      %get3A_17 = arith.constant 0 : index
      %get3A_18 = tpu.vector_load %arg21[%get3A_16, %get3A_17] {strides = array<i32>} : memref<16x16xf32, #tpu.memory_space<vmem>>, vector<16xf32>,
      %mul3A_19 = arith.constant 8 : i32
      %mul3A_20 = arith.muli %scan3A_10, %mul3A_19 : i32
      %add3A_21 = arith.constant 0 : i32
      %add3A_22 = arith.addi %mul3A_20, %add3A_21 : i32
      %get3A_23 = arith.index_cast %add3A_22 : i32 to index
      %get3A_24 = arith.constant 0 : index
      %get3A_25 = tpu.vector_load %arg22[%get3A_23, %get3A_24] {strides = array<i32>} : memref<128x16xf32, #tpu.memory_space<vmem>>, vector<16xf32>,
      %mul3A_26 = arith.constant 8 : i32
      %mul3A_27 = arith.muli %scan3A_10, %mul3A_26 : i32
      %add3A_28 = arith.constant 1 : i32
      %add3A_29 = arith.addi %mul3A_27, %add3A_28 : i32
      %get3A_30 = arith.index_cast %add3A_29 : i32 to index
      %get3A_31 = arith.constant 0 : index
      %get3A_32 = tpu.vector_load %arg22[%get3A_30, %get3A_31] {strides = array<i32>} : memref<128x16xf32, #tpu.memory_space<vmem>>, vector<16xf32>,
      %mul3A_33 = arith.constant 8 : i32
      %mul3A_34 = arith.muli %scan3A_10, %mul3A_33 : i32
      %add3A_35 = arith.constant 2 : i32
      %add3A_36 = arith.addi %mul3A_34, %add3A_35 : i32
      %get3A_37 = arith.index_cast %add3A_36 : i32 to index
      %get3A_38 = arith.constant 0 : index
      %get3A_39 = tpu.vector_load %arg22[%get3A_37, %get3A_38] {strides = array<i32>} : memref<128x16xf32, #tpu.memory_space<vmem>>, vector<16xf32>,
      %mul3A_40 = arith.constant 8 : i32
      %mul3A_41 = arith.muli %scan3A_10, %mul3A_40 : i32
      %add3A_42 = arith.constant 3 : i32
      %add3A_43 = arith.addi %mul3A_41, %add3A_42 : i32
      %get3A_44 = arith.index_cast %add3A_43 : i32 to index
      %get3A_45 = arith.constant 0 : index
      %get3A_46 = tpu.vector_load %arg22[%get3A_44, %get3A_45] {strides = array<i32>} : memref<128x16xf32, #tpu.memory_space<vmem>>, vector<16xf32>,
      %mul3A_47 = arith.constant 8 : i32
      %mul3A_48 = arith.muli %scan3A_10, %mul3A_47 : i32
      %add3A_49 = arith.constant 4 : i32
      %add3A_50 = arith.addi %mul3A_48, %add3A_49 : i32
      %get3A_51 = arith.index_cast %add3A_50 : i32 to index
      %get3A_52 = arith.constant 0 : index
      %get3A_53 = tpu.vector_load %arg22[%get3A_51, %get3A_52] {strides = array<i32>} : memref<128x16xf32, #tpu.memory_space<vmem>>, vector<16xf32>,
      %mul3A_54 = arith.constant 8 : i32
      %mul3A_55 = arith.muli %scan3A_10, %mul3A_54 : i32
      %add3A_56 = arith.constant 5 : i32
      %add3A_57 = arith.addi %mul3A_55, %add3A_56 : i32
      %get3A_58 = arith.index_cast %add3A_57 : i32 to index
      %get3A_59 = arith.constant 0 : index
      %get3A_60 = tpu.vector_load %arg22[%get3A_58, %get3A_59] {strides = array<i32>} : memref<128x16xf32, #tpu.memory_space<vmem>>, vector<16xf32>,
      %mul3A_61 = arith.constant 8 : i32
      %mul3A_62 = arith.muli %scan3A_10, %mul3A_61 : i32
      %add3A_63 = arith.constant 6 : i32
      %add3A_64 = arith.addi %mul3A_62, %add3A_63 : i32
      %get3A_65 = arith.index_cast %add3A_64 : i32 to index
      %get3A_66 = arith.constant 0 : index
      %get3A_67 = tpu.vector_load %arg22[%get3A_65, %get3A_66] {strides = array<i32>} : memref<128x16xf32, #tpu.memory_space<vmem>>, vector<16xf32>,
      %mul3A_68 = arith.constant 8 : i32
      %mul3A_69 = arith.muli %scan3A_10, %mul3A_68 : i32
      %add3A_70 = arith.constant 7 : i32
      %add3A_71 = arith.addi %mul3A_69, %add3A_70 : i32
      %get3A_72 = arith.index_cast %add3A_71 : i32 to index
      %get3A_73 = arith.constant 0 : index
      %get3A_74 = tpu.vector_load %arg22[%get3A_72, %get3A_73] {strides = array<i32>} : memref<128x16xf32, #tpu.memory_space<vmem>>, vector<16xf32>,
      %mul3A_75 = arith.constant 8 : i32
      %mul3A_76 = arith.muli %scan3A_10, %mul3A_75 : i32
      %add3A_77 = arith.constant 0 : i32
      %add3A_78 = arith.addi %mul3A_76, %add3A_77 : i32
      %get3A_79 = arith.index_cast %add3A_78 : i32 to index
      %get3A_80 = arith.constant 0 : index
      %get3A_81 = tpu.vector_load %arg23[%get3A_79, %get3A_80] {strides = array<i32>} : memref<128x16xf32, #tpu.memory_space<vmem>>, vector<16xf32>,
      %mul3A_82 = arith.constant 8 : i32
      %mul3A_83 = arith.muli %scan3A_10, %mul3A_82 : i32
      %add3A_84 = arith.constant 1 : i32
      %add3A_85 = arith.addi %mul3A_83, %add3A_84 : i32
      %get3A_86 = arith.index_cast %add3A_85 : i32 to index
      %get3A_87 = arith.constant 0 : index
      %get3A_88 = tpu.vector_load %arg23[%get3A_86, %get3A_87] {strides = array<i32>} : memref<128x16xf32, #tpu.memory_space<vmem>>, vector<16xf32>,
      %mul3A_89 = arith.constant 8 : i32
      %mul3A_90 = arith.muli %scan3A_10, %mul3A_89 : i32
      %add3A_91 = arith.constant 2 : i32
      %add3A_92 = arith.addi %mul3A_90, %add3A_91 : i32
      %get3A_93 = arith.index_cast %add3A_92 : i32 to index
      %get3A_94 = arith.constant 0 : index
      %get3A_95 = tpu.vector_load %arg23[%get3A_93, %get3A_94] {strides = array<i32>} : memref<128x16xf32, #tpu.memory_space<vmem>>, vector<16xf32>,
      %mul3A_96 = arith.constant 8 : i32
      %mul3A_97 = arith.muli %scan3A_10, %mul3A_96 : i32
      %add3A_98 = arith.constant 3 : i32
      %add3A_99 = arith.addi %mul3A_97, %add3A_98 : i32
      %get3A_100 = arith.index_cast %add3A_99 : i32 to index
      %get3A_101 = arith.constant 0 : index
      %get3A_102 = tpu.vector_load %arg23[%get3A_100, %get3A_101] {strides = array<i32>} : memref<128x16xf32, #tpu.memory_space<vmem>>, vector<16xf32>,
      %mul3A_103 = arith.constant 8 : i32
      %mul3A_104 = arith.muli %scan3A_10, %mul3A_103 : i32
      %add3A_105 = arith.constant 4 : i32
      %add3A_106 = arith.addi %mul3A_104, %add3A_105 : i32
      %get3A_107 = arith.index_cast %add3A_106 : i32 to index
      %get3A_108 = arith.constant 0 : index
      %get3A_109 = tpu.vector_load %arg23[%get3A_107, %get3A_108] {strides = array<i32>} : memref<128x16xf32, #tpu.memory_space<vmem>>, vector<16xf32>,
      %mul3A_110 = arith.constant 8 : i32
      %mul3A_111 = arith.muli %scan3A_10, %mul3A_110 : i32
      %add3A_112 = arith.constant 5 : i32
      %add3A_113 = arith.addi %mul3A_111, %add3A_112 : i32
      %get3A_114 = arith.index_cast %add3A_113 : i32 to index
      %get3A_115 = arith.constant 0 : index
      %get3A_116 = tpu.vector_load %arg23[%get3A_114, %get3A_115] {strides = array<i32>} : memref<128x16xf32, #tpu.memory_space<vmem>>, vector<16xf32>,
      %mul3A_117 = arith.constant 8 : i32
      %mul3A_118 = arith.muli %scan3A_10, %mul3A_117 : i32
      %add3A_119 = arith.constant 6 : i32
      %add3A_120 = arith.addi %mul3A_118, %add3A_119 : i32
      %get3A_121 = arith.index_cast %add3A_120 : i32 to index
      %get3A_122 = arith.constant 0 : index
      %get3A_123 = tpu.vector_load %arg23[%get3A_121, %get3A_122] {strides = array<i32>} : memref<128x16xf32, #tpu.memory_space<vmem>>, vector<16xf32>,
      %mul3A_124 = arith.constant 8 : i32
      %mul3A_125 = arith.muli %scan3A_10, %mul3A_124 : i32
      %add3A_126 = arith.constant 7 : i32
      %add3A_127 = arith.addi %mul3A_125, %add3A_126 : i32
      %get3A_128 = arith.index_cast %add3A_127 : i32 to index
      %get3A_129 = arith.constant 0 : index
      %get3A_130 = tpu.vector_load %arg23[%get3A_128, %get3A_129] {strides = array<i32>} : memref<128x16xf32, #tpu.memory_space<vmem>>, vector<16xf32>,
      %mul3A_131 = arith.constant 8 : i32
      %mul3A_132 = arith.muli %scan3A_10, %mul3A_131 : i32
      %add3A_133 = arith.constant 0 : i32
      %add3A_134 = arith.addi %mul3A_132, %add3A_133 : i32
      %get3A_135 = arith.index_cast %add3A_134 : i32 to index
      %get3A_136 = arith.constant 0 : index
      %get3A_137 = tpu.vector_load %arg24[%get3A_135, %get3A_136] {strides = array<i32>} : memref<128x16xf32, #tpu.memory_space<vmem>>, vector<16xf32>,
      %mul3A_138 = arith.constant 8 : i32
      %mul3A_139 = arith.muli %scan3A_10, %mul3A_138 : i32
      %add3A_140 = arith.constant 1 : i32
      %add3A_141 = arith.addi %mul3A_139, %add3A_140 : i32
      %get3A_142 = arith.index_cast %add3A_141 : i32 to index
      %get3A_143 = arith.constant 0 : index
      %get3A_144 = tpu.vector_load %arg24[%get3A_142, %get3A_143] {strides = array<i32>} : memref<128x16xf32, #tpu.memory_space<vmem>>, vector<16xf32>,
      %mul3A_145 = arith.constant 8 : i32
      %mul3A_146 = arith.muli %scan3A_10, %mul3A_145 : i32
      %add3A_147 = arith.constant 2 : i32
      %add3A_148 = arith.addi %mul3A_146, %add3A_147 : i32
      %get3A_149 = arith.index_cast %add3A_148 : i32 to index
      %get3A_150 = arith.constant 0 : index
      %get3A_151 = tpu.vector_load %arg24[%get3A_149, %get3A_150] {strides = array<i32>} : memref<128x16xf32, #tpu.memory_space<vmem>>, vector<16xf32>,
      %mul3A_152 = arith.constant 8 : i32
      %mul3A_153 = arith.muli %scan3A_10, %mul3A_152 : i32
      %add3A_154 = arith.constant 3 : i32
      %add3A_155 = arith.addi %mul3A_153, %add3A_154 : i32
      %get3A_156 = arith.index_cast %add3A_155 : i32 to index
      %get3A_157 = arith.constant 0 : index
      %get3A_158 = tpu.vector_load %arg24[%get3A_156, %get3A_157] {strides = array<i32>} : memref<128x16xf32, #tpu.memory_space<vmem>>, vector<16xf32>,
      %mul3A_159 = arith.constant 8 : i32
      %mul3A_160 = arith.muli %scan3A_10, %mul3A_159 : i32
      %add3A_161 = arith.constant 4 : i32
      %add3A_162 = arith.addi %mul3A_160, %add3A_161 : i32
      %get3A_163 = arith.index_cast %add3A_162 : i32 to index
      %get3A_164 = arith.constant 0 : index
      %get3A_165 = tpu.vector_load %arg24[%get3A_163, %get3A_164] {strides = array<i32>} : memref<128x16xf32, #tpu.memory_space<vmem>>, vector<16xf32>,
      %mul3A_166 = arith.constant 8 : i32
      %mul3A_167 = arith.muli %scan3A_10, %mul3A_166 : i32
      %add3A_168 = arith.constant 5 : i32
      %add3A_169 = arith.addi %mul3A_167, %add3A_168 : i32
      %get3A_170 = arith.index_cast %add3A_169 : i32 to index
      %get3A_171 = arith.constant 0 : index
      %get3A_172 = tpu.vector_load %arg24[%get3A_170, %get3A_171] {strides = array<i32>} : memref<128x16xf32, #tpu.memory_space<vmem>>, vector<16xf32>,
      %mul3A_173 = arith.constant 8 : i32
      %mul3A_174 = arith.muli %scan3A_10, %mul3A_173 : i32
      %add3A_175 = arith.constant 6 : i32
      %add3A_176 = arith.addi %mul3A_174, %add3A_175 : i32
      %get3A_177 = arith.index_cast %add3A_176 : i32 to index
      %get3A_178 = arith.constant 0 : index
      %get3A_179 = tpu.vector_load %arg24[%get3A_177, %get3A_178] {strides = array<i32>} : memref<128x16xf32, #tpu.memory_space<vmem>>, vector<16xf32>,
      %mul3A_180 = arith.constant 8 : i32
      %mul3A_181 = arith.muli %scan3A_10, %mul3A_180 : i32
      %add3A_182 = arith.constant 7 : i32
      %add3A_183 = arith.addi %mul3A_181, %add3A_182 : i32
      %get3A_184 = arith.index_cast %add3A_183 : i32 to index
      %get3A_185 = arith.constant 0 : index
      %get3A_186 = tpu.vector_load %arg24[%get3A_184, %get3A_185] {strides = array<i32>} : memref<128x16xf32, #tpu.memory_space<vmem>>, vector<16xf32>,
      %mul3A_187 = arith.constant 8 : i32
      %mul3A_188 = arith.muli %scan3A_10, %mul3A_187 : i32
      %add3A_189 = arith.constant 0 : i32
      %add3A_190 = arith.addi %mul3A_188, %add3A_189 : i32
      %get3A_191 = arith.index_cast %add3A_190 : i32 to index
      %get3A_192 = arith.constant 0 : index
      %get3A_193 = tpu.vector_load %arg25[%get3A_191, %get3A_192] {strides = array<i32>} : memref<128x16xf32, #tpu.memory_space<vmem>>, vector<16xf32>,
      %mul3A_194 = arith.constant 8 : i32
      %mul3A_195 = arith.muli %scan3A_10, %mul3A_194 : i32
      %add3A_196 = arith.constant 1 : i32
      %add3A_197 = arith.addi %mul3A_195, %add3A_196 : i32
      %get3A_198 = arith.index_cast %add3A_197 : i32 to index
      %get3A_199 = arith.constant 0 : index
      %get3A_200 = tpu.vector_load %arg25[%get3A_198, %get3A_199] {strides = array<i32>} : memref<128x16xf32, #tpu.memory_space<vmem>>, vector<16xf32>,
      %mul3A_201 = arith.constant 8 : i32
      %mul3A_202 = arith.muli %scan3A_10, %mul3A_201 : i32
      %add3A_203 = arith.constant 2 : i32
      %add3A_204 = arith.addi %mul3A_202, %add3A_203 : i32
      %get3A_205 = arith.index_cast %add3A_204 : i32 to index
      %get3A_206 = arith.constant 0 : index
      %get3A_207 = tpu.vector_load %arg25[%get3A_205, %get3A_206] {strides = array<i32>} : memref<128x16xf32, #tpu.memory_space<vmem>>, vector<16xf32>,
      %mul3A_208 = arith.constant 8 : i32
      %mul3A_209 = arith.muli %scan3A_10, %mul3A_208 : i32
      %add3A_210 = arith.constant 3 : i32
      %add3A_211 = arith.addi %mul3A_209, %add3A_210 : i32
      %get3A_212 = arith.index_cast %add3A_211 : i32 to index
      %get3A_213 = arith.constant 0 : index
      %get3A_214 = tpu.vector_load %arg25[%get3A_212, %get3A_213] {strides = array<i32>} : memref<128x16xf32, #tpu.memory_space<vmem>>, vector<16xf32>,
      %mul3A_215 = arith.constant 8 : i32
      %mul3A_216 = arith.muli %scan3A_10, %mul3A_215 : i32
      %add3A_217 = arith.constant 4 : i32
      %add3A_218 = arith.addi %mul3A_216, %add3A_217 : i32
      %get3A_219 = arith.index_cast %add3A_218 : i32 to index
      %get3A_220 = arith.constant 0 : index
      %get3A_221 = tpu.vector_load %arg25[%get3A_219, %get3A_220] {strides = array<i32>} : memref<128x16xf32, #tpu.memory_space<vmem>>, vector<16xf32>,
      %mul3A_222 = arith.constant 8 : i32
      %mul3A_223 = arith.muli %scan3A_10, %mul3A_222 : i32
      %add3A_224 = arith.constant 5 : i32
      %add3A_225 = arith.addi %mul3A_223, %add3A_224 : i32
      %get3A_226 = arith.index_cast %add3A_225 : i32 to index
      %get3A_227 = arith.constant 0 : index
      %get3A_228 = tpu.vector_load %arg25[%get3A_226, %get3A_227] {strides = array<i32>} : memref<128x16xf32, #tpu.memory_space<vmem>>, vector<16xf32>,
      %mul3A_229 = arith.constant 8 : i32
      %mul3A_230 = arith.muli %scan3A_10, %mul3A_229 : i32
      %add3A_231 = arith.constant 6 : i32
      %add3A_232 = arith.addi %mul3A_230, %add3A_231 : i32
      %get3A_233 = arith.index_cast %add3A_232 : i32 to index
      %get3A_234 = arith.constant 0 : index
      %get3A_235 = tpu.vector_load %arg25[%get3A_233, %get3A_234] {strides = array<i32>} : memref<128x16xf32, #tpu.memory_space<vmem>>, vector<16xf32>,
      %mul3A_236 = arith.constant 8 : i32
      %mul3A_237 = arith.muli %scan3A_10, %mul3A_236 : i32
      %add3A_238 = arith.constant 7 : i32
      %add3A_239 = arith.addi %mul3A_237, %add3A_238 : i32
      %get3A_240 = arith.index_cast %add3A_239 : i32 to index
      %get3A_241 = arith.constant 0 : index
      %get3A_242 = tpu.vector_load %arg25[%get3A_240, %get3A_241] {strides = array<i32>} : memref<128x16xf32, #tpu.memory_space<vmem>>, vector<16xf32>,
      %broadcast_in_dim3A = arith.constant 3.000000e+38 : f32
      %broadcast_in_dim3A_243 = vector.broadcast %broadcast_in_dim3A : f32 to vector<16xf32>
      %broadcast_in_dim3A_244 = arith.constant 3.000000e+38 : f32
      %broadcast_in_dim3A_245 = vector.broadcast %broadcast_in_dim3A_244 : f32 to vector<16xf32>
      %broadcast_in_dim3A_246 = arith.constant 3.000000e+38 : f32
      %broadcast_in_dim3A_247 = vector.broadcast %broadcast_in_dim3A_246 : f32 to vector<16xf32>
      %broadcast_in_dim3A_248 = arith.constant 3.000000e+38 : f32
      %broadcast_in_dim3A_249 = vector.broadcast %broadcast_in_dim3A_248 : f32 to vector<16xf32>
      %broadcast_in_dim3A_250 = arith.constant 3.000000e+38 : f32
      %broadcast_in_dim3A_251 = vector.broadcast %broadcast_in_dim3A_250 : f32 to vector<16xf32>
      %broadcast_in_dim3A_252 = arith.constant 3.000000e+38 : f32
      %broadcast_in_dim3A_253 = vector.broadcast %broadcast_in_dim3A_252 : f32 to vector<16xf32>
      %broadcast_in_dim3A_254 = arith.constant 3.000000e+38 : f32
      %broadcast_in_dim3A_255 = vector.broadcast %broadcast_in_dim3A_254 : f32 to vector<16xf32>
      %broadcast_in_dim3A_256 = arith.constant 3.000000e+38 : f32
      %broadcast_in_dim3A_257 = vector.broadcast %broadcast_in_dim3A_256 : f32 to vector<16xf32>
      %broadcast_in_dim3A_258 = arith.constant 0 : i32
      %broadcast_in_dim3A_259 = vector.broadcast %broadcast_in_dim3A_258 : i32 to vector<16xi32>
      %broadcast_in_dim3A_260 = arith.constant 0 : i32
      %broadcast_in_dim3A_261 = vector.broadcast %broadcast_in_dim3A_260 : i32 to vector<16xi32>
      %broadcast_in_dim3A_262 = arith.constant 0 : i32
      %broadcast_in_dim3A_263 = vector.broadcast %broadcast_in_dim3A_262 : i32 to vector<16xi32>
      %broadcast_in_dim3A_264 = arith.constant 0 : i32
      %broadcast_in_dim3A_265 = vector.broadcast %broadcast_in_dim3A_264 : i32 to vector<16xi32>
      %broadcast_in_dim3A_266 = arith.constant 0 : i32
      %broadcast_in_dim3A_267 = vector.broadcast %broadcast_in_dim3A_266 : i32 to vector<16xi32>
      %broadcast_in_dim3A_268 = arith.constant 0 : i32
      %broadcast_in_dim3A_269 = vector.broadcast %broadcast_in_dim3A_268 : i32 to vector<16xi32>
      %broadcast_in_dim3A_270 = arith.constant 0 : i32
      %broadcast_in_dim3A_271 = vector.broadcast %broadcast_in_dim3A_270 : i32 to vector<16xi32>
      %broadcast_in_dim3A_272 = arith.constant 0 : i32
      %broadcast_in_dim3A_273 = vector.broadcast %broadcast_in_dim3A_272 : i32 to vector<16xi32>
      %scan3A_274 = arith.constant 0 : i32
      %scan3A_275 = arith.constant 625 : i32
      %scan3A_276 = arith.addi %scan3A_274, %scan3A_275 : i32
      %scan3A_277 = arith.constant 1 : i32
      %scan3A_278:16 = scf.for %scan3A_430 = %scan3A_274 to %scan3A_276 step %scan3A_277 iter_args(%scan3A_431 = %broadcast_in_dim3A_243, %scan3A_432 = %broadcast_in_dim3A_245, %scan3A_433 = %broadcast_in_dim3A_247, %scan3A_434 = %broadcast_in_dim3A_249, %scan3A_435 = %broadcast_in_dim3A_251, %scan3A_436 = %broadcast_in_dim3A_253, %scan3A_437 = %broadcast_in_dim3A_255, %scan3A_438 = %broadcast_in_dim3A_257, %scan3A_439 = %broadcast_in_dim3A_259, %scan3A_440 = %broadcast_in_dim3A_261, %scan3A_441 = %broadcast_in_dim3A_263, %scan3A_442 = %broadcast_in_dim3A_265, %scan3A_443 = %broadcast_in_dim3A_267, %scan3A_444 = %broadcast_in_dim3A_269, %scan3A_445 = %broadcast_in_dim3A_271, %scan3A_446 = %broadcast_in_dim3A_273) -> (vector<16xf32>, vector<16xf32>, vector<16xf32>, vector<16xf32>, vector<16xf32>, vector<16xf32>, vector<16xf32>, vector<16xf32>, vector<16xi32>, vector<16xi32>, vector<16xi32>, vector<16xi32>, vector<16xi32>, vector<16xi32>, vector<16xi32>, vector<16xi32>)  : i32 {
        %mul3A_447 = arith.constant 16 : i32
        %mul3A_448 = arith.muli %scan3A_430, %mul3A_447 : i32
        %multiple_of3A = tpu.assume_multiple %mul3A_448, 16 : i32
        %get3A_449 = arith.index_cast %multiple_of3A : i32 to index
        %get3A_450 = tpu.vector_load %arg16[%get3A_449] {strides = array<i32>} : memref<10000xf32, #tpu.memory_space<vmem>>, vector<16xf32>,
        %get3A_451 = arith.index_cast %multiple_of3A : i32 to index
        %get3A_452 = tpu.vector_load %arg17[%get3A_451] {strides = array<i32>} : memref<10000xf32, #tpu.memory_space<vmem>>, vector<16xf32>,
        %get3A_453 = arith.index_cast %multiple_of3A : i32 to index
        %get3A_454 = tpu.vector_load %arg18[%get3A_453] {strides = array<i32>} : memref<10000xf32, #tpu.memory_space<vmem>>, vector<16xf32>,
        %sub3A = arith.subf %get3A_450, %get3A_12 : vector<16xf32>
        %sub3A_455 = arith.subf %get3A_452, %get3A_15 : vector<16xf32>
        %sub3A_456 = arith.subf %get3A_454, %get3A_18 : vector<16xf32>
        %mul3A_457 = arith.mulf %sub3A, %sub3A : vector<16xf32>
        %mul3A_458 = arith.mulf %sub3A_455, %sub3A_455 : vector<16xf32>
        %add3A_459 = arith.addf %mul3A_457, %mul3A_458 : vector<16xf32>
        %mul3A_460 = arith.mulf %sub3A_456, %sub3A_456 : vector<16xf32>
        %add3A_461 = arith.addf %add3A_459, %mul3A_460 : vector<16xf32>
        %mul3A_462 = arith.constant 7.498000e-01 : f32
        %mul3A_463 = vector.broadcast %mul3A_462 : f32 to vector<16xf32>
        %mul3A_464 = arith.mulf %mul3A_463, %add3A_461 : vector<16xf32>
        %add3A_465 = vector.broadcast %multiple_of3A : i32 to vector<16xi32>
        %add3A_466 = arith.addi %iota3A, %add3A_465 : vector<16xi32>
        %convert_element_type3A = arith.sitofp %add3A_466 : vector<16xi32> to vector<16xf32>
        %mul3A_467 = arith.constant 1.100000e+09 : f32
        %mul3A_468 = vector.broadcast %mul3A_467 : f32 to vector<16xf32>
        %mul3A_469 = arith.mulf %convert_element_type3A, %mul3A_468 : vector<16xf32>
        %add3A_470 = arith.constant 1.000000e+16 : f32
        %add3A_471 = vector.broadcast %add3A_470 : f32 to vector<16xf32>
        %add3A_472 = arith.addf %add3A_471, %mul3A_469 : vector<16xf32>
        %mul3A_473 = arith.mulf %get3A_25, %get3A_450 : vector<16xf32>
        %mul3A_474 = arith.mulf %get3A_81, %get3A_452 : vector<16xf32>
        %add3A_475 = arith.addf %mul3A_473, %mul3A_474 : vector<16xf32>
        %mul3A_476 = arith.mulf %get3A_137, %get3A_454 : vector<16xf32>
        %add3A_477 = arith.addf %add3A_475, %mul3A_476 : vector<16xf32>
        %sub3A_478 = arith.subf %add3A_477, %get3A_193 : vector<16xf32>
        %mul3A_479 = arith.mulf %sub3A_478, %sub3A_478 : vector<16xf32>
        %sub3A_480 = arith.subf %add3A_461, %mul3A_479 : vector<16xf32>
        %ge3A = arith.constant 0.000000e+00 : f32
        %ge3A_481 = vector.broadcast %ge3A : f32 to vector<16xf32>
        %ge3A_482 = arith.cmpf oge, %sub3A_478, %ge3A_481 : vector<16xf32>
        %ge3A_483 = arith.cmpf oge, %mul3A_479, %mul3A_464 : vector<16xf32>
        %and3A = arith.andi %ge3A_482, %ge3A_483 : vector<16xi1>
        %select_n3A = arith.select %and3A, %sub3A_480, %add3A_472 : vector<16xi1>, vector<16xf32>
        %masked_sort3A = arith.constant dense<true> : vector<16xi1>
        %masked_sort3A_484, %masked_sort3A_485, %masked_sort3A_486 = tpu.sort %select_n3A, %add3A_466 masked %masked_sort3A {descending = true} : (vector<16xf32>, vector<16xi32>, vector<16xi1>) -> (vector<16xi1>, vector<16xf32>, vector<16xi32>)
        %le3A = arith.cmpf ole, %scan3A_431, %masked_sort3A_485 : vector<16xf32>
        %select_n3A_487 = arith.select %le3A, %scan3A_431, %masked_sort3A_485 : vector<16xi1>, vector<16xf32>
        %select_n3A_488 = arith.select %le3A, %scan3A_439, %masked_sort3A_486 : vector<16xi1>, vector<16xi32>
        %masked_sort3A_489 = arith.constant dense<true> : vector<16xi1>
        %masked_sort3A_490, %masked_sort3A_491, %masked_sort3A_492 = tpu.sort %select_n3A_487, %select_n3A_488 masked %masked_sort3A_489 : (vector<16xf32>, vector<16xi32>, vector<16xi1>) -> (vector<16xi1>, vector<16xf32>, vector<16xi32>)
        %mul3A_493 = arith.mulf %get3A_32, %get3A_450 : vector<16xf32>
        %mul3A_494 = arith.mulf %get3A_88, %get3A_452 : vector<16xf32>
        %add3A_495 = arith.addf %mul3A_493, %mul3A_494 : vector<16xf32>
        %mul3A_496 = arith.mulf %get3A_144, %get3A_454 : vector<16xf32>
        %add3A_497 = arith.addf %add3A_495, %mul3A_496 : vector<16xf32>
        %sub3A_498 = arith.subf %add3A_497, %get3A_200 : vector<16xf32>
        %mul3A_499 = arith.mulf %sub3A_498, %sub3A_498 : vector<16xf32>
        %sub3A_500 = arith.subf %add3A_461, %mul3A_499 : vector<16xf32>
        %ge3A_501 = arith.constant 0.000000e+00 : f32
        %ge3A_502 = vector.broadcast %ge3A_501 : f32 to vector<16xf32>
        %ge3A_503 = arith.cmpf oge, %sub3A_498, %ge3A_502 : vector<16xf32>
        %ge3A_504 = arith.cmpf oge, %mul3A_499, %mul3A_464 : vector<16xf32>
        %and3A_505 = arith.andi %ge3A_503, %ge3A_504 : vector<16xi1>
        %select_n3A_506 = arith.select %and3A_505, %sub3A_500, %add3A_472 : vector<16xi1>, vector<16xf32>
        %masked_sort3A_507 = arith.constant dense<true> : vector<16xi1>
        %masked_sort3A_508, %masked_sort3A_509, %masked_sort3A_510 = tpu.sort %select_n3A_506, %add3A_466 masked %masked_sort3A_507 {descending = true} : (vector<16xf32>, vector<16xi32>, vector<16xi1>) -> (vector<16xi1>, vector<16xf32>, vector<16xi32>)
        %le3A_511 = arith.cmpf ole, %scan3A_432, %masked_sort3A_509 : vector<16xf32>
        %select_n3A_512 = arith.select %le3A_511, %scan3A_432, %masked_sort3A_509 : vector<16xi1>, vector<16xf32>
        %select_n3A_513 = arith.select %le3A_511, %scan3A_440, %masked_sort3A_510 : vector<16xi1>, vector<16xi32>
        %masked_sort3A_514 = arith.constant dense<true> : vector<16xi1>
        %masked_sort3A_515, %masked_sort3A_516, %masked_sort3A_517 = tpu.sort %select_n3A_512, %select_n3A_513 masked %masked_sort3A_514 : (vector<16xf32>, vector<16xi32>, vector<16xi1>) -> (vector<16xi1>, vector<16xf32>, vector<16xi32>)
        %mul3A_518 = arith.mulf %get3A_39, %get3A_450 : vector<16xf32>
        %mul3A_519 = arith.mulf %get3A_95, %get3A_452 : vector<16xf32>
        %add3A_520 = arith.addf %mul3A_518, %mul3A_519 : vector<16xf32>
        %mul3A_521 = arith.mulf %get3A_151, %get3A_454 : vector<16xf32>
        %add3A_522 = arith.addf %add3A_520, %mul3A_521 : vector<16xf32>
        %sub3A_523 = arith.subf %add3A_522, %get3A_207 : vector<16xf32>
        %mul3A_524 = arith.mulf %sub3A_523, %sub3A_523 : vector<16xf32>
        %sub3A_525 = arith.subf %add3A_461, %mul3A_524 : vector<16xf32>
        %ge3A_526 = arith.constant 0.000000e+00 : f32
        %ge3A_527 = vector.broadcast %ge3A_526 : f32 to vector<16xf32>
        %ge3A_528 = arith.cmpf oge, %sub3A_523, %ge3A_527 : vector<16xf32>
        %ge3A_529 = arith.cmpf oge, %mul3A_524, %mul3A_464 : vector<16xf32>
        %and3A_530 = arith.andi %ge3A_528, %ge3A_529 : vector<16xi1>
        %select_n3A_531 = arith.select %and3A_530, %sub3A_525, %add3A_472 : vector<16xi1>, vector<16xf32>
        %masked_sort3A_532 = arith.constant dense<true> : vector<16xi1>
        %masked_sort3A_533, %masked_sort3A_534, %masked_sort3A_535 = tpu.sort %select_n3A_531, %add3A_466 masked %masked_sort3A_532 {descending = true} : (vector<16xf32>, vector<16xi32>, vector<16xi1>) -> (vector<16xi1>, vector<16xf32>, vector<16xi32>)
        %le3A_536 = arith.cmpf ole, %scan3A_433, %masked_sort3A_534 : vector<16xf32>
        %select_n3A_537 = arith.select %le3A_536, %scan3A_433, %masked_sort3A_534 : vector<16xi1>, vector<16xf32>
        %select_n3A_538 = arith.select %le3A_536, %scan3A_441, %masked_sort3A_535 : vector<16xi1>, vector<16xi32>
        %masked_sort3A_539 = arith.constant dense<true> : vector<16xi1>
        %masked_sort3A_540, %masked_sort3A_541, %masked_sort3A_542 = tpu.sort %select_n3A_537, %select_n3A_538 masked %masked_sort3A_539 : (vector<16xf32>, vector<16xi32>, vector<16xi1>) -> (vector<16xi1>, vector<16xf32>, vector<16xi32>)
        %mul3A_543 = arith.mulf %get3A_46, %get3A_450 : vector<16xf32>
        %mul3A_544 = arith.mulf %get3A_102, %get3A_452 : vector<16xf32>
        %add3A_545 = arith.addf %mul3A_543, %mul3A_544 : vector<16xf32>
        %mul3A_546 = arith.mulf %get3A_158, %get3A_454 : vector<16xf32>
        %add3A_547 = arith.addf %add3A_545, %mul3A_546 : vector<16xf32>
        %sub3A_548 = arith.subf %add3A_547, %get3A_214 : vector<16xf32>
        %mul3A_549 = arith.mulf %sub3A_548, %sub3A_548 : vector<16xf32>
        %sub3A_550 = arith.subf %add3A_461, %mul3A_549 : vector<16xf32>
        %ge3A_551 = arith.constant 0.000000e+00 : f32
        %ge3A_552 = vector.broadcast %ge3A_551 : f32 to vector<16xf32>
        %ge3A_553 = arith.cmpf oge, %sub3A_548, %ge3A_552 : vector<16xf32>
        %ge3A_554 = arith.cmpf oge, %mul3A_549, %mul3A_464 : vector<16xf32>
        %and3A_555 = arith.andi %ge3A_553, %ge3A_554 : vector<16xi1>
        %select_n3A_556 = arith.select %and3A_555, %sub3A_550, %add3A_472 : vector<16xi1>, vector<16xf32>
        %masked_sort3A_557 = arith.constant dense<true> : vector<16xi1>
        %masked_sort3A_558, %masked_sort3A_559, %masked_sort3A_560 = tpu.sort %select_n3A_556, %add3A_466 masked %masked_sort3A_557 {descending = true} : (vector<16xf32>, vector<16xi32>, vector<16xi1>) -> (vector<16xi1>, vector<16xf32>, vector<16xi32>)
        %le3A_561 = arith.cmpf ole, %scan3A_434, %masked_sort3A_559 : vector<16xf32>
        %select_n3A_562 = arith.select %le3A_561, %scan3A_434, %masked_sort3A_559 : vector<16xi1>, vector<16xf32>
        %select_n3A_563 = arith.select %le3A_561, %scan3A_442, %masked_sort3A_560 : vector<16xi1>, vector<16xi32>
        %masked_sort3A_564 = arith.constant dense<true> : vector<16xi1>
        %masked_sort3A_565, %masked_sort3A_566, %masked_sort3A_567 = tpu.sort %select_n3A_562, %select_n3A_563 masked %masked_sort3A_564 : (vector<16xf32>, vector<16xi32>, vector<16xi1>) -> (vector<16xi1>, vector<16xf32>, vector<16xi32>)
        %mul3A_568 = arith.mulf %get3A_53, %get3A_450 : vector<16xf32>
        %mul3A_569 = arith.mulf %get3A_109, %get3A_452 : vector<16xf32>
        %add3A_570 = arith.addf %mul3A_568, %mul3A_569 : vector<16xf32>
        %mul3A_571 = arith.mulf %get3A_165, %get3A_454 : vector<16xf32>
        %add3A_572 = arith.addf %add3A_570, %mul3A_571 : vector<16xf32>
        %sub3A_573 = arith.subf %add3A_572, %get3A_221 : vector<16xf32>
        %mul3A_574 = arith.mulf %sub3A_573, %sub3A_573 : vector<16xf32>
        %sub3A_575 = arith.subf %add3A_461, %mul3A_574 : vector<16xf32>
        %ge3A_576 = arith.constant 0.000000e+00 : f32
        %ge3A_577 = vector.broadcast %ge3A_576 : f32 to vector<16xf32>
        %ge3A_578 = arith.cmpf oge, %sub3A_573, %ge3A_577 : vector<16xf32>
        %ge3A_579 = arith.cmpf oge, %mul3A_574, %mul3A_464 : vector<16xf32>
        %and3A_580 = arith.andi %ge3A_578, %ge3A_579 : vector<16xi1>
        %select_n3A_581 = arith.select %and3A_580, %sub3A_575, %add3A_472 : vector<16xi1>, vector<16xf32>
        %masked_sort3A_582 = arith.constant dense<true> : vector<16xi1>
        %masked_sort3A_583, %masked_sort3A_584, %masked_sort3A_585 = tpu.sort %select_n3A_581, %add3A_466 masked %masked_sort3A_582 {descending = true} : (vector<16xf32>, vector<16xi32>, vector<16xi1>) -> (vector<16xi1>, vector<16xf32>, vector<16xi32>)
        %le3A_586 = arith.cmpf ole, %scan3A_435, %masked_sort3A_584 : vector<16xf32>
        %select_n3A_587 = arith.select %le3A_586, %scan3A_435, %masked_sort3A_584 : vector<16xi1>, vector<16xf32>
        %select_n3A_588 = arith.select %le3A_586, %scan3A_443, %masked_sort3A_585 : vector<16xi1>, vector<16xi32>
        %masked_sort3A_589 = arith.constant dense<true> : vector<16xi1>
        %masked_sort3A_590, %masked_sort3A_591, %masked_sort3A_592 = tpu.sort %select_n3A_587, %select_n3A_588 masked %masked_sort3A_589 : (vector<16xf32>, vector<16xi32>, vector<16xi1>) -> (vector<16xi1>, vector<16xf32>, vector<16xi32>)
        %mul3A_593 = arith.mulf %get3A_60, %get3A_450 : vector<16xf32>
        %mul3A_594 = arith.mulf %get3A_116, %get3A_452 : vector<16xf32>
        %add3A_595 = arith.addf %mul3A_593, %mul3A_594 : vector<16xf32>
        %mul3A_596 = arith.mulf %get3A_172, %get3A_454 : vector<16xf32>
        %add3A_597 = arith.addf %add3A_595, %mul3A_596 : vector<16xf32>
        %sub3A_598 = arith.subf %add3A_597, %get3A_228 : vector<16xf32>
        %mul3A_599 = arith.mulf %sub3A_598, %sub3A_598 : vector<16xf32>
        %sub3A_600 = arith.subf %add3A_461, %mul3A_599 : vector<16xf32>
        %ge3A_601 = arith.constant 0.000000e+00 : f32
        %ge3A_602 = vector.broadcast %ge3A_601 : f32 to vector<16xf32>
        %ge3A_603 = arith.cmpf oge, %sub3A_598, %ge3A_602 : vector<16xf32>
        %ge3A_604 = arith.cmpf oge, %mul3A_599, %mul3A_464 : vector<16xf32>
        %and3A_605 = arith.andi %ge3A_603, %ge3A_604 : vector<16xi1>
        %select_n3A_606 = arith.select %and3A_605, %sub3A_600, %add3A_472 : vector<16xi1>, vector<16xf32>
        %masked_sort3A_607 = arith.constant dense<true> : vector<16xi1>
        %masked_sort3A_608, %masked_sort3A_609, %masked_sort3A_610 = tpu.sort %select_n3A_606, %add3A_466 masked %masked_sort3A_607 {descending = true} : (vector<16xf32>, vector<16xi32>, vector<16xi1>) -> (vector<16xi1>, vector<16xf32>, vector<16xi32>)
        %le3A_611 = arith.cmpf ole, %scan3A_436, %masked_sort3A_609 : vector<16xf32>
        %select_n3A_612 = arith.select %le3A_611, %scan3A_436, %masked_sort3A_609 : vector<16xi1>, vector<16xf32>
        %select_n3A_613 = arith.select %le3A_611, %scan3A_444, %masked_sort3A_610 : vector<16xi1>, vector<16xi32>
        %masked_sort3A_614 = arith.constant dense<true> : vector<16xi1>
        %masked_sort3A_615, %masked_sort3A_616, %masked_sort3A_617 = tpu.sort %select_n3A_612, %select_n3A_613 masked %masked_sort3A_614 : (vector<16xf32>, vector<16xi32>, vector<16xi1>) -> (vector<16xi1>, vector<16xf32>, vector<16xi32>)
        %mul3A_618 = arith.mulf %get3A_67, %get3A_450 : vector<16xf32>
        %mul3A_619 = arith.mulf %get3A_123, %get3A_452 : vector<16xf32>
        %add3A_620 = arith.addf %mul3A_618, %mul3A_619 : vector<16xf32>
        %mul3A_621 = arith.mulf %get3A_179, %get3A_454 : vector<16xf32>
        %add3A_622 = arith.addf %add3A_620, %mul3A_621 : vector<16xf32>
        %sub3A_623 = arith.subf %add3A_622, %get3A_235 : vector<16xf32>
        %mul3A_624 = arith.mulf %sub3A_623, %sub3A_623 : vector<16xf32>
        %sub3A_625 = arith.subf %add3A_461, %mul3A_624 : vector<16xf32>
        %ge3A_626 = arith.constant 0.000000e+00 : f32
        %ge3A_627 = vector.broadcast %ge3A_626 : f32 to vector<16xf32>
        %ge3A_628 = arith.cmpf oge, %sub3A_623, %ge3A_627 : vector<16xf32>
        %ge3A_629 = arith.cmpf oge, %mul3A_624, %mul3A_464 : vector<16xf32>
        %and3A_630 = arith.andi %ge3A_628, %ge3A_629 : vector<16xi1>
        %select_n3A_631 = arith.select %and3A_630, %sub3A_625, %add3A_472 : vector<16xi1>, vector<16xf32>
        %masked_sort3A_632 = arith.constant dense<true> : vector<16xi1>
        %masked_sort3A_633, %masked_sort3A_634, %masked_sort3A_635 = tpu.sort %select_n3A_631, %add3A_466 masked %masked_sort3A_632 {descending = true} : (vector<16xf32>, vector<16xi32>, vector<16xi1>) -> (vector<16xi1>, vector<16xf32>, vector<16xi32>)
        %le3A_636 = arith.cmpf ole, %scan3A_437, %masked_sort3A_634 : vector<16xf32>
        %select_n3A_637 = arith.select %le3A_636, %scan3A_437, %masked_sort3A_634 : vector<16xi1>, vector<16xf32>
        %select_n3A_638 = arith.select %le3A_636, %scan3A_445, %masked_sort3A_635 : vector<16xi1>, vector<16xi32>
        %masked_sort3A_639 = arith.constant dense<true> : vector<16xi1>
        %masked_sort3A_640, %masked_sort3A_641, %masked_sort3A_642 = tpu.sort %select_n3A_637, %select_n3A_638 masked %masked_sort3A_639 : (vector<16xf32>, vector<16xi32>, vector<16xi1>) -> (vector<16xi1>, vector<16xf32>, vector<16xi32>)
        %mul3A_643 = arith.mulf %get3A_74, %get3A_450 : vector<16xf32>
        %mul3A_644 = arith.mulf %get3A_130, %get3A_452 : vector<16xf32>
        %add3A_645 = arith.addf %mul3A_643, %mul3A_644 : vector<16xf32>
        %mul3A_646 = arith.mulf %get3A_186, %get3A_454 : vector<16xf32>
        %add3A_647 = arith.addf %add3A_645, %mul3A_646 : vector<16xf32>
        %sub3A_648 = arith.subf %add3A_647, %get3A_242 : vector<16xf32>
        %mul3A_649 = arith.mulf %sub3A_648, %sub3A_648 : vector<16xf32>
        %sub3A_650 = arith.subf %add3A_461, %mul3A_649 : vector<16xf32>
        %ge3A_651 = arith.constant 0.000000e+00 : f32
        %ge3A_652 = vector.broadcast %ge3A_651 : f32 to vector<16xf32>
        %ge3A_653 = arith.cmpf oge, %sub3A_648, %ge3A_652 : vector<16xf32>
        %ge3A_654 = arith.cmpf oge, %mul3A_649, %mul3A_464 : vector<16xf32>
        %and3A_655 = arith.andi %ge3A_653, %ge3A_654 : vector<16xi1>
        %select_n3A_656 = arith.select %and3A_655, %sub3A_650, %add3A_472 : vector<16xi1>, vector<16xf32>
        %masked_sort3A_657 = arith.constant dense<true> : vector<16xi1>
        %masked_sort3A_658, %masked_sort3A_659, %masked_sort3A_660 = tpu.sort %select_n3A_656, %add3A_466 masked %masked_sort3A_657 {descending = true} : (vector<16xf32>, vector<16xi32>, vector<16xi1>) -> (vector<16xi1>, vector<16xf32>, vector<16xi32>)
        %le3A_661 = arith.cmpf ole, %scan3A_438, %masked_sort3A_659 : vector<16xf32>
        %select_n3A_662 = arith.select %le3A_661, %scan3A_438, %masked_sort3A_659 : vector<16xi1>, vector<16xf32>
        %select_n3A_663 = arith.select %le3A_661, %scan3A_446, %masked_sort3A_660 : vector<16xi1>, vector<16xi32>
        %masked_sort3A_664 = arith.constant dense<true> : vector<16xi1>
        %masked_sort3A_665, %masked_sort3A_666, %masked_sort3A_667 = tpu.sort %select_n3A_662, %select_n3A_663 masked %masked_sort3A_664 : (vector<16xf32>, vector<16xi32>, vector<16xi1>) -> (vector<16xi1>, vector<16xf32>, vector<16xi32>)
        scf.yield %masked_sort3A_491, %masked_sort3A_516, %masked_sort3A_541, %masked_sort3A_566, %masked_sort3A_591, %masked_sort3A_616, %masked_sort3A_641, %masked_sort3A_666, %masked_sort3A_492, %masked_sort3A_517, %masked_sort3A_542, %masked_sort3A_567, %masked_sort3A_592, %masked_sort3A_617, %masked_sort3A_642, %masked_sort3A_667 : vector<16xf32>, vector<16xf32>, vector<16xf32>, vector<16xf32>, vector<16xf32>, vector<16xf32>, vector<16xf32>, vector<16xf32>, vector<16xi32>, vector<16xi32>, vector<16xi32>, vector<16xi32>, vector<16xi32>, vector<16xi32>, vector<16xi32>, vector<16xi32>
      }
      %scan3A_279 = arith.constant 625 : i32
      %mul3A_280 = arith.constant 8 : i32
      %mul3A_281 = arith.muli %scan3A_10, %mul3A_280 : i32
      %add3A_282 = arith.constant 0 : i32
      %add3A_283 = arith.addi %mul3A_281, %add3A_282 : i32
      %swap3A = arith.index_cast %add3A_283 : i32 to index
      %swap3A_284 = arith.constant 0 : index
      %swap3A_285 = tpu.vector_load %arg26[%swap3A, %swap3A_284] {strides = array<i32>} : memref<128x16xi32, #tpu.memory_space<vmem>>, vector<16xi32>,
      tpu.vector_store %arg26[%swap3A, %swap3A_284], %scan3A_278#8 {strides = array<i32>} : memref<128x16xi32, #tpu.memory_space<vmem>>, vector<16xi32>,
      %gather3A = tpu.vector_load_idx %arg16[%scan3A_278#8] : memref<10000xf32, #tpu.memory_space<vmem>>[vector<16xi32>], vector<16xf32>,
      %swap3A_286 = arith.index_cast %add3A_283 : i32 to index
      %swap3A_287 = arith.constant 0 : index
      %swap3A_288 = tpu.vector_load %arg27[%swap3A_286, %swap3A_287] {strides = array<i32>} : memref<128x16xf32, #tpu.memory_space<vmem>>, vector<16xf32>,
      tpu.vector_store %arg27[%swap3A_286, %swap3A_287], %gather3A {strides = array<i32>} : memref<128x16xf32, #tpu.memory_space<vmem>>, vector<16xf32>,
      %gather3A_289 = tpu.vector_load_idx %arg17[%scan3A_278#8] : memref<10000xf32, #tpu.memory_space<vmem>>[vector<16xi32>], vector<16xf32>,
      %swap3A_290 = arith.index_cast %add3A_283 : i32 to index
      %swap3A_291 = arith.constant 0 : index
      %swap3A_292 = tpu.vector_load %arg28[%swap3A_290, %swap3A_291] {strides = array<i32>} : memref<128x16xf32, #tpu.memory_space<vmem>>, vector<16xf32>,
      tpu.vector_store %arg28[%swap3A_290, %swap3A_291], %gather3A_289 {strides = array<i32>} : memref<128x16xf32, #tpu.memory_space<vmem>>, vector<16xf32>,
      %gather3A_293 = tpu.vector_load_idx %arg18[%scan3A_278#8] : memref<10000xf32, #tpu.memory_space<vmem>>[vector<16xi32>], vector<16xf32>,
      %swap3A_294 = arith.index_cast %add3A_283 : i32 to index
      %swap3A_295 = arith.constant 0 : index
      %swap3A_296 = tpu.vector_load %arg29[%swap3A_294, %swap3A_295] {strides = array<i32>} : memref<128x16xf32, #tpu.memory_space<vmem>>, vector<16xf32>,
      tpu.vector_store %arg29[%swap3A_294, %swap3A_295], %gather3A_293 {strides = array<i32>} : memref<128x16xf32, #tpu.memory_space<vmem>>, vector<16xf32>,
      %mul3A_297 = arith.constant 8 : i32
      %mul3A_298 = arith.muli %scan3A_10, %mul3A_297 : i32
      %add3A_299 = arith.constant 1 : i32
      %add3A_300 = arith.addi %mul3A_298, %add3A_299 : i32
      %swap3A_301 = arith.index_cast %add3A_300 : i32 to index
      %swap3A_302 = arith.constant 0 : index
      %swap3A_303 = tpu.vector_load %arg26[%swap3A_301, %swap3A_302] {strides = array<i32>} : memref<128x16xi32, #tpu.memory_space<vmem>>, vector<16xi32>,
      tpu.vector_store %arg26[%swap3A_301, %swap3A_302], %scan3A_278#9 {strides = array<i32>} : memref<128x16xi32, #tpu.memory_space<vmem>>, vector<16xi32>,
      %gather3A_304 = tpu.vector_load_idx %arg16[%scan3A_278#9] : memref<10000xf32, #tpu.memory_space<vmem>>[vector<16xi32>], vector<16xf32>,
      %swap3A_305 = arith.index_cast %add3A_300 : i32 to index
      %swap3A_306 = arith.constant 0 : index
      %swap3A_307 = tpu.vector_load %arg27[%swap3A_305, %swap3A_306] {strides = array<i32>} : memref<128x16xf32, #tpu.memory_space<vmem>>, vector<16xf32>,
      tpu.vector_store %arg27[%swap3A_305, %swap3A_306], %gather3A_304 {strides = array<i32>} : memref<128x16xf32, #tpu.memory_space<vmem>>, vector<16xf32>,
      %gather3A_308 = tpu.vector_load_idx %arg17[%scan3A_278#9] : memref<10000xf32, #tpu.memory_space<vmem>>[vector<16xi32>], vector<16xf32>,
      %swap3A_309 = arith.index_cast %add3A_300 : i32 to index
      %swap3A_310 = arith.constant 0 : index
      %swap3A_311 = tpu.vector_load %arg28[%swap3A_309, %swap3A_310] {strides = array<i32>} : memref<128x16xf32, #tpu.memory_space<vmem>>, vector<16xf32>,
      tpu.vector_store %arg28[%swap3A_309, %swap3A_310], %gather3A_308 {strides = array<i32>} : memref<128x16xf32, #tpu.memory_space<vmem>>, vector<16xf32>,
      %gather3A_312 = tpu.vector_load_idx %arg18[%scan3A_278#9] : memref<10000xf32, #tpu.memory_space<vmem>>[vector<16xi32>], vector<16xf32>,
      %swap3A_313 = arith.index_cast %add3A_300 : i32 to index
      %swap3A_314 = arith.constant 0 : index
      %swap3A_315 = tpu.vector_load %arg29[%swap3A_313, %swap3A_314] {strides = array<i32>} : memref<128x16xf32, #tpu.memory_space<vmem>>, vector<16xf32>,
      tpu.vector_store %arg29[%swap3A_313, %swap3A_314], %gather3A_312 {strides = array<i32>} : memref<128x16xf32, #tpu.memory_space<vmem>>, vector<16xf32>,
      %mul3A_316 = arith.constant 8 : i32
      %mul3A_317 = arith.muli %scan3A_10, %mul3A_316 : i32
      %add3A_318 = arith.constant 2 : i32
      %add3A_319 = arith.addi %mul3A_317, %add3A_318 : i32
      %swap3A_320 = arith.index_cast %add3A_319 : i32 to index
      %swap3A_321 = arith.constant 0 : index
      %swap3A_322 = tpu.vector_load %arg26[%swap3A_320, %swap3A_321] {strides = array<i32>} : memref<128x16xi32, #tpu.memory_space<vmem>>, vector<16xi32>,
      tpu.vector_store %arg26[%swap3A_320, %swap3A_321], %scan3A_278#10 {strides = array<i32>} : memref<128x16xi32, #tpu.memory_space<vmem>>, vector<16xi32>,
      %gather3A_323 = tpu.vector_load_idx %arg16[%scan3A_278#10] : memref<10000xf32, #tpu.memory_space<vmem>>[vector<16xi32>], vector<16xf32>,
      %swap3A_324 = arith.index_cast %add3A_319 : i32 to index
      %swap3A_325 = arith.constant 0 : index
      %swap3A_326 = tpu.vector_load %arg27[%swap3A_324, %swap3A_325] {strides = array<i32>} : memref<128x16xf32, #tpu.memory_space<vmem>>, vector<16xf32>,
      tpu.vector_store %arg27[%swap3A_324, %swap3A_325], %gather3A_323 {strides = array<i32>} : memref<128x16xf32, #tpu.memory_space<vmem>>, vector<16xf32>,
      %gather3A_327 = tpu.vector_load_idx %arg17[%scan3A_278#10] : memref<10000xf32, #tpu.memory_space<vmem>>[vector<16xi32>], vector<16xf32>,
      %swap3A_328 = arith.index_cast %add3A_319 : i32 to index
      %swap3A_329 = arith.constant 0 : index
      %swap3A_330 = tpu.vector_load %arg28[%swap3A_328, %swap3A_329] {strides = array<i32>} : memref<128x16xf32, #tpu.memory_space<vmem>>, vector<16xf32>,
      tpu.vector_store %arg28[%swap3A_328, %swap3A_329], %gather3A_327 {strides = array<i32>} : memref<128x16xf32, #tpu.memory_space<vmem>>, vector<16xf32>,
      %gather3A_331 = tpu.vector_load_idx %arg18[%scan3A_278#10] : memref<10000xf32, #tpu.memory_space<vmem>>[vector<16xi32>], vector<16xf32>,
      %swap3A_332 = arith.index_cast %add3A_319 : i32 to index
      %swap3A_333 = arith.constant 0 : index
      %swap3A_334 = tpu.vector_load %arg29[%swap3A_332, %swap3A_333] {strides = array<i32>} : memref<128x16xf32, #tpu.memory_space<vmem>>, vector<16xf32>,
      tpu.vector_store %arg29[%swap3A_332, %swap3A_333], %gather3A_331 {strides = array<i32>} : memref<128x16xf32, #tpu.memory_space<vmem>>, vector<16xf32>,
      %mul3A_335 = arith.constant 8 : i32
      %mul3A_336 = arith.muli %scan3A_10, %mul3A_335 : i32
      %add3A_337 = arith.constant 3 : i32
      %add3A_338 = arith.addi %mul3A_336, %add3A_337 : i32
      %swap3A_339 = arith.index_cast %add3A_338 : i32 to index
      %swap3A_340 = arith.constant 0 : index
      %swap3A_341 = tpu.vector_load %arg26[%swap3A_339, %swap3A_340] {strides = array<i32>} : memref<128x16xi32, #tpu.memory_space<vmem>>, vector<16xi32>,
      tpu.vector_store %arg26[%swap3A_339, %swap3A_340], %scan3A_278#11 {strides = array<i32>} : memref<128x16xi32, #tpu.memory_space<vmem>>, vector<16xi32>,
      %gather3A_342 = tpu.vector_load_idx %arg16[%scan3A_278#11] : memref<10000xf32, #tpu.memory_space<vmem>>[vector<16xi32>], vector<16xf32>,
      %swap3A_343 = arith.index_cast %add3A_338 : i32 to index
      %swap3A_344 = arith.constant 0 : index
      %swap3A_345 = tpu.vector_load %arg27[%swap3A_343, %swap3A_344] {strides = array<i32>} : memref<128x16xf32, #tpu.memory_space<vmem>>, vector<16xf32>,
      tpu.vector_store %arg27[%swap3A_343, %swap3A_344], %gather3A_342 {strides = array<i32>} : memref<128x16xf32, #tpu.memory_space<vmem>>, vector<16xf32>,
      %gather3A_346 = tpu.vector_load_idx %arg17[%scan3A_278#11] : memref<10000xf32, #tpu.memory_space<vmem>>[vector<16xi32>], vector<16xf32>,
      %swap3A_347 = arith.index_cast %add3A_338 : i32 to index
      %swap3A_348 = arith.constant 0 : index
      %swap3A_349 = tpu.vector_load %arg28[%swap3A_347, %swap3A_348] {strides = array<i32>} : memref<128x16xf32, #tpu.memory_space<vmem>>, vector<16xf32>,
      tpu.vector_store %arg28[%swap3A_347, %swap3A_348], %gather3A_346 {strides = array<i32>} : memref<128x16xf32, #tpu.memory_space<vmem>>, vector<16xf32>,
      %gather3A_350 = tpu.vector_load_idx %arg18[%scan3A_278#11] : memref<10000xf32, #tpu.memory_space<vmem>>[vector<16xi32>], vector<16xf32>,
      %swap3A_351 = arith.index_cast %add3A_338 : i32 to index
      %swap3A_352 = arith.constant 0 : index
      %swap3A_353 = tpu.vector_load %arg29[%swap3A_351, %swap3A_352] {strides = array<i32>} : memref<128x16xf32, #tpu.memory_space<vmem>>, vector<16xf32>,
      tpu.vector_store %arg29[%swap3A_351, %swap3A_352], %gather3A_350 {strides = array<i32>} : memref<128x16xf32, #tpu.memory_space<vmem>>, vector<16xf32>,
      %mul3A_354 = arith.constant 8 : i32
      %mul3A_355 = arith.muli %scan3A_10, %mul3A_354 : i32
      %add3A_356 = arith.constant 4 : i32
      %add3A_357 = arith.addi %mul3A_355, %add3A_356 : i32
      %swap3A_358 = arith.index_cast %add3A_357 : i32 to index
      %swap3A_359 = arith.constant 0 : index
      %swap3A_360 = tpu.vector_load %arg26[%swap3A_358, %swap3A_359] {strides = array<i32>} : memref<128x16xi32, #tpu.memory_space<vmem>>, vector<16xi32>,
      tpu.vector_store %arg26[%swap3A_358, %swap3A_359], %scan3A_278#12 {strides = array<i32>} : memref<128x16xi32, #tpu.memory_space<vmem>>, vector<16xi32>,
      %gather3A_361 = tpu.vector_load_idx %arg16[%scan3A_278#12] : memref<10000xf32, #tpu.memory_space<vmem>>[vector<16xi32>], vector<16xf32>,
      %swap3A_362 = arith.index_cast %add3A_357 : i32 to index
      %swap3A_363 = arith.constant 0 : index
      %swap3A_364 = tpu.vector_load %arg27[%swap3A_362, %swap3A_363] {strides = array<i32>} : memref<128x16xf32, #tpu.memory_space<vmem>>, vector<16xf32>,
      tpu.vector_store %arg27[%swap3A_362, %swap3A_363], %gather3A_361 {strides = array<i32>} : memref<128x16xf32, #tpu.memory_space<vmem>>, vector<16xf32>,
      %gather3A_365 = tpu.vector_load_idx %arg17[%scan3A_278#12] : memref<10000xf32, #tpu.memory_space<vmem>>[vector<16xi32>], vector<16xf32>,
      %swap3A_366 = arith.index_cast %add3A_357 : i32 to index
      %swap3A_367 = arith.constant 0 : index
      %swap3A_368 = tpu.vector_load %arg28[%swap3A_366, %swap3A_367] {strides = array<i32>} : memref<128x16xf32, #tpu.memory_space<vmem>>, vector<16xf32>,
      tpu.vector_store %arg28[%swap3A_366, %swap3A_367], %gather3A_365 {strides = array<i32>} : memref<128x16xf32, #tpu.memory_space<vmem>>, vector<16xf32>,
      %gather3A_369 = tpu.vector_load_idx %arg18[%scan3A_278#12] : memref<10000xf32, #tpu.memory_space<vmem>>[vector<16xi32>], vector<16xf32>,
      %swap3A_370 = arith.index_cast %add3A_357 : i32 to index
      %swap3A_371 = arith.constant 0 : index
      %swap3A_372 = tpu.vector_load %arg29[%swap3A_370, %swap3A_371] {strides = array<i32>} : memref<128x16xf32, #tpu.memory_space<vmem>>, vector<16xf32>,
      tpu.vector_store %arg29[%swap3A_370, %swap3A_371], %gather3A_369 {strides = array<i32>} : memref<128x16xf32, #tpu.memory_space<vmem>>, vector<16xf32>,
      %mul3A_373 = arith.constant 8 : i32
      %mul3A_374 = arith.muli %scan3A_10, %mul3A_373 : i32
      %add3A_375 = arith.constant 5 : i32
      %add3A_376 = arith.addi %mul3A_374, %add3A_375 : i32
      %swap3A_377 = arith.index_cast %add3A_376 : i32 to index
      %swap3A_378 = arith.constant 0 : index
      %swap3A_379 = tpu.vector_load %arg26[%swap3A_377, %swap3A_378] {strides = array<i32>} : memref<128x16xi32, #tpu.memory_space<vmem>>, vector<16xi32>,
      tpu.vector_store %arg26[%swap3A_377, %swap3A_378], %scan3A_278#13 {strides = array<i32>} : memref<128x16xi32, #tpu.memory_space<vmem>>, vector<16xi32>,
      %gather3A_380 = tpu.vector_load_idx %arg16[%scan3A_278#13] : memref<10000xf32, #tpu.memory_space<vmem>>[vector<16xi32>], vector<16xf32>,
      %swap3A_381 = arith.index_cast %add3A_376 : i32 to index
      %swap3A_382 = arith.constant 0 : index
      %swap3A_383 = tpu.vector_load %arg27[%swap3A_381, %swap3A_382] {strides = array<i32>} : memref<128x16xf32, #tpu.memory_space<vmem>>, vector<16xf32>,
      tpu.vector_store %arg27[%swap3A_381, %swap3A_382], %gather3A_380 {strides = array<i32>} : memref<128x16xf32, #tpu.memory_space<vmem>>, vector<16xf32>,
      %gather3A_384 = tpu.vector_load_idx %arg17[%scan3A_278#13] : memref<10000xf32, #tpu.memory_space<vmem>>[vector<16xi32>], vector<16xf32>,
      %swap3A_385 = arith.index_cast %add3A_376 : i32 to index
      %swap3A_386 = arith.constant 0 : index
      %swap3A_387 = tpu.vector_load %arg28[%swap3A_385, %swap3A_386] {strides = array<i32>} : memref<128x16xf32, #tpu.memory_space<vmem>>, vector<16xf32>,
      tpu.vector_store %arg28[%swap3A_385, %swap3A_386], %gather3A_384 {strides = array<i32>} : memref<128x16xf32, #tpu.memory_space<vmem>>, vector<16xf32>,
      %gather3A_388 = tpu.vector_load_idx %arg18[%scan3A_278#13] : memref<10000xf32, #tpu.memory_space<vmem>>[vector<16xi32>], vector<16xf32>,
      %swap3A_389 = arith.index_cast %add3A_376 : i32 to index
      %swap3A_390 = arith.constant 0 : index
      %swap3A_391 = tpu.vector_load %arg29[%swap3A_389, %swap3A_390] {strides = array<i32>} : memref<128x16xf32, #tpu.memory_space<vmem>>, vector<16xf32>,
      tpu.vector_store %arg29[%swap3A_389, %swap3A_390], %gather3A_388 {strides = array<i32>} : memref<128x16xf32, #tpu.memory_space<vmem>>, vector<16xf32>,
      %mul3A_392 = arith.constant 8 : i32
      %mul3A_393 = arith.muli %scan3A_10, %mul3A_392 : i32
      %add3A_394 = arith.constant 6 : i32
      %add3A_395 = arith.addi %mul3A_393, %add3A_394 : i32
      %swap3A_396 = arith.index_cast %add3A_395 : i32 to index
      %swap3A_397 = arith.constant 0 : index
      %swap3A_398 = tpu.vector_load %arg26[%swap3A_396, %swap3A_397] {strides = array<i32>} : memref<128x16xi32, #tpu.memory_space<vmem>>, vector<16xi32>,
      tpu.vector_store %arg26[%swap3A_396, %swap3A_397], %scan3A_278#14 {strides = array<i32>} : memref<128x16xi32, #tpu.memory_space<vmem>>, vector<16xi32>,
      %gather3A_399 = tpu.vector_load_idx %arg16[%scan3A_278#14] : memref<10000xf32, #tpu.memory_space<vmem>>[vector<16xi32>], vector<16xf32>,
      %swap3A_400 = arith.index_cast %add3A_395 : i32 to index
      %swap3A_401 = arith.constant 0 : index
      %swap3A_402 = tpu.vector_load %arg27[%swap3A_400, %swap3A_401] {strides = array<i32>} : memref<128x16xf32, #tpu.memory_space<vmem>>, vector<16xf32>,
      tpu.vector_store %arg27[%swap3A_400, %swap3A_401], %gather3A_399 {strides = array<i32>} : memref<128x16xf32, #tpu.memory_space<vmem>>, vector<16xf32>,
      %gather3A_403 = tpu.vector_load_idx %arg17[%scan3A_278#14] : memref<10000xf32, #tpu.memory_space<vmem>>[vector<16xi32>], vector<16xf32>,
      %swap3A_404 = arith.index_cast %add3A_395 : i32 to index
      %swap3A_405 = arith.constant 0 : index
      %swap3A_406 = tpu.vector_load %arg28[%swap3A_404, %swap3A_405] {strides = array<i32>} : memref<128x16xf32, #tpu.memory_space<vmem>>, vector<16xf32>,
      tpu.vector_store %arg28[%swap3A_404, %swap3A_405], %gather3A_403 {strides = array<i32>} : memref<128x16xf32, #tpu.memory_space<vmem>>, vector<16xf32>,
      %gather3A_407 = tpu.vector_load_idx %arg18[%scan3A_278#14] : memref<10000xf32, #tpu.memory_space<vmem>>[vector<16xi32>], vector<16xf32>,
      %swap3A_408 = arith.index_cast %add3A_395 : i32 to index
      %swap3A_409 = arith.constant 0 : index
      %swap3A_410 = tpu.vector_load %arg29[%swap3A_408, %swap3A_409] {strides = array<i32>} : memref<128x16xf32, #tpu.memory_space<vmem>>, vector<16xf32>,
      tpu.vector_store %arg29[%swap3A_408, %swap3A_409], %gather3A_407 {strides = array<i32>} : memref<128x16xf32, #tpu.memory_space<vmem>>, vector<16xf32>,
      %mul3A_411 = arith.constant 8 : i32
      %mul3A_412 = arith.muli %scan3A_10, %mul3A_411 : i32
      %add3A_413 = arith.constant 7 : i32
      %add3A_414 = arith.addi %mul3A_412, %add3A_413 : i32
      %swap3A_415 = arith.index_cast %add3A_414 : i32 to index
      %swap3A_416 = arith.constant 0 : index
      %swap3A_417 = tpu.vector_load %arg26[%swap3A_415, %swap3A_416] {strides = array<i32>} : memref<128x16xi32, #tpu.memory_space<vmem>>, vector<16xi32>,
      tpu.vector_store %arg26[%swap3A_415, %swap3A_416], %scan3A_278#15 {strides = array<i32>} : memref<128x16xi32, #tpu.memory_space<vmem>>, vector<16xi32>,
      %gather3A_418 = tpu.vector_load_idx %arg16[%scan3A_278#15] : memref<10000xf32, #tpu.memory_space<vmem>>[vector<16xi32>], vector<16xf32>,
      %swap3A_419 = arith.index_cast %add3A_414 : i32 to index
      %swap3A_420 = arith.constant 0 : index
      %swap3A_421 = tpu.vector_load %arg27[%swap3A_419, %swap3A_420] {strides = array<i32>} : memref<128x16xf32, #tpu.memory_space<vmem>>, vector<16xf32>,
      tpu.vector_store %arg27[%swap3A_419, %swap3A_420], %gather3A_418 {strides = array<i32>} : memref<128x16xf32, #tpu.memory_space<vmem>>, vector<16xf32>,
      %gather3A_422 = tpu.vector_load_idx %arg17[%scan3A_278#15] : memref<10000xf32, #tpu.memory_space<vmem>>[vector<16xi32>], vector<16xf32>,
      %swap3A_423 = arith.index_cast %add3A_414 : i32 to index
      %swap3A_424 = arith.constant 0 : index
      %swap3A_425 = tpu.vector_load %arg28[%swap3A_423, %swap3A_424] {strides = array<i32>} : memref<128x16xf32, #tpu.memory_space<vmem>>, vector<16xf32>,
      tpu.vector_store %arg28[%swap3A_423, %swap3A_424], %gather3A_422 {strides = array<i32>} : memref<128x16xf32, #tpu.memory_space<vmem>>, vector<16xf32>,
      %gather3A_426 = tpu.vector_load_idx %arg18[%scan3A_278#15] : memref<10000xf32, #tpu.memory_space<vmem>>[vector<16xi32>], vector<16xf32>,
      %swap3A_427 = arith.index_cast %add3A_414 : i32 to index
      %swap3A_428 = arith.constant 0 : index
      %swap3A_429 = tpu.vector_load %arg29[%swap3A_427, %swap3A_428] {strides = array<i32>} : memref<128x16xf32, #tpu.memory_space<vmem>>, vector<16xf32>,
      tpu.vector_store %arg29[%swap3A_427, %swap3A_428], %gather3A_426 {strides = array<i32>} : memref<128x16xf32, #tpu.memory_space<vmem>>, vector<16xf32>,
    }
    %scan3A_9 = arith.constant 16 : i32
    "tpu.region"() ({
      %run_scoped3A = tpu.sem_alloc : memref<!tpu.dma_semaphore, #tpu.memory_space<semaphore_mem>>
      %dma_start3A = arith.constant 0 : i32
      %dma_start3A_10 = tpu.memref_slice %arg12[%mul3A_4, %dma_start3A] : memref<4096x16xi32, #tpu.memory_space<hbm>> -> memref<128x16xi32, #tpu.memory_space<hbm>>
      %dma_start3A_11 = arith.constant 0 : i32
      %dma_start3A_12 = tpu.memref_slice %arg12[%mul3A_4, %dma_start3A_11] : memref<4096x16xi32, #tpu.memory_space<hbm>> -> memref<128x16xi32, #tpu.memory_space<hbm>>
      tpu.enqueue_dma source(%arg26 : memref<128x16xi32, #tpu.memory_space<vmem>>) target(%dma_start3A_12 : memref<128x16xi32, #tpu.memory_space<hbm>>) target_semaphore(%run_scoped3A : memref<!tpu.dma_semaphore, #tpu.memory_space<semaphore_mem>>)
      %dma_wait3A = arith.constant 0 : i32
      %dma_wait3A_13 = tpu.memref_slice %arg12[%mul3A_4, %dma_wait3A] : memref<4096x16xi32, #tpu.memory_space<hbm>> -> memref<128x16xi32, #tpu.memory_space<hbm>>
      %dma_wait3A_14 = arith.constant 0 : i32
      %dma_wait3A_15 = tpu.memref_slice %arg12[%mul3A_4, %dma_wait3A_14] : memref<4096x16xi32, #tpu.memory_space<hbm>> -> memref<128x16xi32, #tpu.memory_space<hbm>>
      tpu.wait_dma2 semaphore(%run_scoped3A : memref<!tpu.dma_semaphore, #tpu.memory_space<semaphore_mem>>) src(%arg26 : memref<128x16xi32, #tpu.memory_space<vmem>>) dst(%dma_wait3A_15 : memref<128x16xi32, #tpu.memory_space<hbm>>)
      tpu.yield
    }) : () -> ()
    "tpu.region"() ({
      %run_scoped3A = tpu.sem_alloc : memref<!tpu.dma_semaphore, #tpu.memory_space<semaphore_mem>>
      %dma_start3A = arith.constant 0 : i32
      %dma_start3A_10 = tpu.memref_slice %arg13[%mul3A_4, %dma_start3A] : memref<4096x16xf32, #tpu.memory_space<hbm>> -> memref<128x16xf32, #tpu.memory_space<hbm>>
      %dma_start3A_11 = arith.constant 0 : i32
      %dma_start3A_12 = tpu.memref_slice %arg13[%mul3A_4, %dma_start3A_11] : memref<4096x16xf32, #tpu.memory_space<hbm>> -> memref<128x16xf32, #tpu.memory_space<hbm>>
      tpu.enqueue_dma source(%arg27 : memref<128x16xf32, #tpu.memory_space<vmem>>) target(%dma_start3A_12 : memref<128x16xf32, #tpu.memory_space<hbm>>) target_semaphore(%run_scoped3A : memref<!tpu.dma_semaphore, #tpu.memory_space<semaphore_mem>>)
      %dma_wait3A = arith.constant 0 : i32
      %dma_wait3A_13 = tpu.memref_slice %arg13[%mul3A_4, %dma_wait3A] : memref<4096x16xf32, #tpu.memory_space<hbm>> -> memref<128x16xf32, #tpu.memory_space<hbm>>
      %dma_wait3A_14 = arith.constant 0 : i32
      %dma_wait3A_15 = tpu.memref_slice %arg13[%mul3A_4, %dma_wait3A_14] : memref<4096x16xf32, #tpu.memory_space<hbm>> -> memref<128x16xf32, #tpu.memory_space<hbm>>
      tpu.wait_dma2 semaphore(%run_scoped3A : memref<!tpu.dma_semaphore, #tpu.memory_space<semaphore_mem>>) src(%arg27 : memref<128x16xf32, #tpu.memory_space<vmem>>) dst(%dma_wait3A_15 : memref<128x16xf32, #tpu.memory_space<hbm>>)
      tpu.yield
    }) : () -> ()
    "tpu.region"() ({
      %run_scoped3A = tpu.sem_alloc : memref<!tpu.dma_semaphore, #tpu.memory_space<semaphore_mem>>
      %dma_start3A = arith.constant 0 : i32
      %dma_start3A_10 = tpu.memref_slice %arg14[%mul3A_4, %dma_start3A] : memref<4096x16xf32, #tpu.memory_space<hbm>> -> memref<128x16xf32, #tpu.memory_space<hbm>>
      %dma_start3A_11 = arith.constant 0 : i32
      %dma_start3A_12 = tpu.memref_slice %arg14[%mul3A_4, %dma_start3A_11] : memref<4096x16xf32, #tpu.memory_space<hbm>> -> memref<128x16xf32, #tpu.memory_space<hbm>>
      tpu.enqueue_dma source(%arg28 : memref<128x16xf32, #tpu.memory_space<vmem>>) target(%dma_start3A_12 : memref<128x16xf32, #tpu.memory_space<hbm>>) target_semaphore(%run_scoped3A : memref<!tpu.dma_semaphore, #tpu.memory_space<semaphore_mem>>)
      %dma_wait3A = arith.constant 0 : i32
      %dma_wait3A_13 = tpu.memref_slice %arg14[%mul3A_4, %dma_wait3A] : memref<4096x16xf32, #tpu.memory_space<hbm>> -> memref<128x16xf32, #tpu.memory_space<hbm>>
      %dma_wait3A_14 = arith.constant 0 : i32
      %dma_wait3A_15 = tpu.memref_slice %arg14[%mul3A_4, %dma_wait3A_14] : memref<4096x16xf32, #tpu.memory_space<hbm>> -> memref<128x16xf32, #tpu.memory_space<hbm>>
      tpu.wait_dma2 semaphore(%run_scoped3A : memref<!tpu.dma_semaphore, #tpu.memory_space<semaphore_mem>>) src(%arg28 : memref<128x16xf32, #tpu.memory_space<vmem>>) dst(%dma_wait3A_15 : memref<128x16xf32, #tpu.memory_space<hbm>>)
      tpu.yield
    }) : () -> ()
    "tpu.region"() ({
      %run_scoped3A = tpu.sem_alloc : memref<!tpu.dma_semaphore, #tpu.memory_space<semaphore_mem>>
      %dma_start3A = arith.constant 0 : i32
      %dma_start3A_10 = tpu.memref_slice %arg15[%mul3A_4, %dma_start3A] : memref<4096x16xf32, #tpu.memory_space<hbm>> -> memref<128x16xf32, #tpu.memory_space<hbm>>
      %dma_start3A_11 = arith.constant 0 : i32
      %dma_start3A_12 = tpu.memref_slice %arg15[%mul3A_4, %dma_start3A_11] : memref<4096x16xf32, #tpu.memory_space<hbm>> -> memref<128x16xf32, #tpu.memory_space<hbm>>
      tpu.enqueue_dma source(%arg29 : memref<128x16xf32, #tpu.memory_space<vmem>>) target(%dma_start3A_12 : memref<128x16xf32, #tpu.memory_space<hbm>>) target_semaphore(%run_scoped3A : memref<!tpu.dma_semaphore, #tpu.memory_space<semaphore_mem>>)
      %dma_wait3A = arith.constant 0 : i32
      %dma_wait3A_13 = tpu.memref_slice %arg15[%mul3A_4, %dma_wait3A] : memref<4096x16xf32, #tpu.memory_space<hbm>> -> memref<128x16xf32, #tpu.memory_space<hbm>>
      %dma_wait3A_14 = arith.constant 0 : i32
      %dma_wait3A_15 = tpu.memref_slice %arg15[%mul3A_4, %dma_wait3A_14] : memref<4096x16xf32, #tpu.memory_space<hbm>> -> memref<128x16xf32, #tpu.memory_space<hbm>>
      tpu.wait_dma2 semaphore(%run_scoped3A : memref<!tpu.dma_semaphore, #tpu.memory_space<semaphore_mem>>) src(%arg29 : memref<128x16xf32, #tpu.memory_space<vmem>>) dst(%dma_wait3A_15 : memref<128x16xf32, #tpu.memory_space<hbm>>)
      tpu.yield
    }) : () -> ()
    return
  }
}

module attributes {stable_mosaic.version = 14 : i64} {
  func.func @_rescore_body(%arg0: memref<4096x4xf32, #tpu.memory_space<vmem>>, %arg1: memref<4096x4xf32, #tpu.memory_space<vmem>>, %arg2: memref<4096x16xi32, #tpu.memory_space<vmem>>, %arg3: memref<4096x16xf32, #tpu.memory_space<vmem>>, %arg4: memref<4096x16xf32, #tpu.memory_space<vmem>>, %arg5: memref<4096x16xf32, #tpu.memory_space<vmem>>, %arg6: memref<4096x8xf32, #tpu.memory_space<vmem>>, %arg7: memref<4096x8xi32, #tpu.memory_space<vmem>>, %arg8: memref<4096x8xf32, #tpu.memory_space<vmem>>, %arg9: memref<4096x8xf32, #tpu.memory_space<vmem>>, %arg10: memref<4096x8xf32, #tpu.memory_space<vmem>>) attributes {dimension_semantics = [], scalar_prefetch = 0 : i64, scratch_operands = 0 : i64, tpu.core_type = #tpu.core_type<tc>} {
    %get3A = arith.constant 0 : index
    %get3A_0 = arith.constant 0 : index
    %get3A_1 = vector.load %arg0[%get3A, %get3A_0] : memref<4096x4xf32, #tpu.memory_space<vmem>>, vector<4096x1xf32>
    %get3A_2 = arith.constant 0 : index
    %get3A_3 = arith.constant 1 : index
    %get3A_4 = vector.load %arg0[%get3A_2, %get3A_3] : memref<4096x4xf32, #tpu.memory_space<vmem>>, vector<4096x1xf32>
    %get3A_5 = arith.constant 0 : index
    %get3A_6 = arith.constant 2 : index
    %get3A_7 = vector.load %arg0[%get3A_5, %get3A_6] : memref<4096x4xf32, #tpu.memory_space<vmem>>, vector<4096x1xf32>
    %get3A_8 = arith.constant 0 : index
    %get3A_9 = arith.constant 0 : index
    %get3A_10 = vector.load %arg3[%get3A_8, %get3A_9] : memref<4096x16xf32, #tpu.memory_space<vmem>>, vector<4096x16xf32>
    %sub3A = vector.broadcast %get3A_1 : vector<4096x1xf32> to vector<4096x16xf32>
    %sub3A_11 = arith.subf %get3A_10, %sub3A : vector<4096x16xf32>
    %get3A_12 = arith.constant 0 : index
    %get3A_13 = arith.constant 0 : index
    %get3A_14 = vector.load %arg4[%get3A_12, %get3A_13] : memref<4096x16xf32, #tpu.memory_space<vmem>>, vector<4096x16xf32>
    %sub3A_15 = vector.broadcast %get3A_4 : vector<4096x1xf32> to vector<4096x16xf32>
    %sub3A_16 = arith.subf %get3A_14, %sub3A_15 : vector<4096x16xf32>
    %get3A_17 = arith.constant 0 : index
    %get3A_18 = arith.constant 0 : index
    %get3A_19 = vector.load %arg5[%get3A_17, %get3A_18] : memref<4096x16xf32, #tpu.memory_space<vmem>>, vector<4096x16xf32>
    %sub3A_20 = vector.broadcast %get3A_7 : vector<4096x1xf32> to vector<4096x16xf32>
    %sub3A_21 = arith.subf %get3A_19, %sub3A_20 : vector<4096x16xf32>
    %mul3A = arith.mulf %sub3A_11, %sub3A_11 : vector<4096x16xf32>
    %mul3A_22 = arith.mulf %sub3A_16, %sub3A_16 : vector<4096x16xf32>
    %add3A = arith.addf %mul3A, %mul3A_22 : vector<4096x16xf32>
    %mul3A_23 = arith.mulf %sub3A_21, %sub3A_21 : vector<4096x16xf32>
    %add3A_24 = arith.addf %add3A, %mul3A_23 : vector<4096x16xf32>
    %sqrt3A = math.sqrt %add3A_24 : vector<4096x16xf32>
    %max3A = arith.constant 9.99999996E-13 : f32
    %max3A_25 = vector.broadcast %max3A : f32 to vector<4096x16xf32>
    %max3A_26 = arith.maximumf %sqrt3A, %max3A_25 : vector<4096x16xf32>
    %div3A = arith.divf %sub3A_11, %max3A_26 : vector<4096x16xf32>
    %div3A_27 = arith.divf %sub3A_16, %max3A_26 : vector<4096x16xf32>
    %div3A_28 = arith.divf %sub3A_21, %max3A_26 : vector<4096x16xf32>
    %get3A_29 = arith.constant 0 : index
    %get3A_30 = arith.constant 0 : index
    %get3A_31 = vector.load %arg1[%get3A_29, %get3A_30] : memref<4096x4xf32, #tpu.memory_space<vmem>>, vector<4096x1xf32>
    %mul3A_32 = vector.broadcast %get3A_31 : vector<4096x1xf32> to vector<4096x16xf32>
    %mul3A_33 = arith.mulf %mul3A_32, %div3A : vector<4096x16xf32>
    %get3A_34 = arith.constant 0 : index
    %get3A_35 = arith.constant 1 : index
    %get3A_36 = vector.load %arg1[%get3A_34, %get3A_35] : memref<4096x4xf32, #tpu.memory_space<vmem>>, vector<4096x1xf32>
    %mul3A_37 = vector.broadcast %get3A_36 : vector<4096x1xf32> to vector<4096x16xf32>
    %mul3A_38 = arith.mulf %mul3A_37, %div3A_27 : vector<4096x16xf32>
    %add3A_39 = arith.addf %mul3A_33, %mul3A_38 : vector<4096x16xf32>
    %get3A_40 = arith.constant 0 : index
    %get3A_41 = arith.constant 2 : index
    %get3A_42 = vector.load %arg1[%get3A_40, %get3A_41] : memref<4096x4xf32, #tpu.memory_space<vmem>>, vector<4096x1xf32>
    %mul3A_43 = vector.broadcast %get3A_42 : vector<4096x1xf32> to vector<4096x16xf32>
    %mul3A_44 = arith.mulf %mul3A_43, %div3A_28 : vector<4096x16xf32>
    %add3A_45 = arith.addf %add3A_39, %mul3A_44 : vector<4096x16xf32>
    %mul3A_46 = arith.mulf %add3A_45, %add3A_45 : vector<4096x16xf32>
    %sub3A_47 = arith.constant 1.000000e+00 : f32
    %sub3A_48 = vector.broadcast %sub3A_47 : f32 to vector<4096x16xf32>
    %sub3A_49 = arith.subf %sub3A_48, %mul3A_46 : vector<4096x16xf32>
    %max3A_50 = arith.constant 9.99999996E-13 : f32
    %max3A_51 = vector.broadcast %max3A_50 : f32 to vector<4096x16xf32>
    %max3A_52 = arith.maximumf %sub3A_49, %max3A_51 : vector<4096x16xf32>
    %sqrt3A_53 = math.sqrt %max3A_52 : vector<4096x16xf32>
    %mul3A_54 = arith.mulf %sqrt3A_53, %sqrt3A : vector<4096x16xf32>
    %lt3A = arith.constant 0.865999996 : f32
    %lt3A_55 = vector.broadcast %lt3A : f32 to vector<4096x16xf32>
    %lt3A_56 = arith.cmpf olt, %add3A_45, %lt3A_55 : vector<4096x16xf32>
    %jit3A = arith.constant 1.000000e+08 : f32
    %broadcast_in_dim3A = vector.broadcast %jit3A : f32 to vector<4096x16xf32>
    %select_n3A = arith.select %lt3A_56, %broadcast_in_dim3A, %mul3A_54 : vector<4096x16xi1>, vector<4096x16xf32>
    %get3A_57 = arith.constant 0 : index
    %get3A_58 = arith.constant 0 : index
    %get3A_59 = vector.load %arg2[%get3A_57, %get3A_58] : memref<4096x16xi32, #tpu.memory_space<vmem>>, vector<4096x16xi32>
    %get3A_60 = arith.constant 0 : index
    %get3A_61 = arith.constant 0 : index
    %get3A_62 = vector.load %arg3[%get3A_60, %get3A_61] : memref<4096x16xf32, #tpu.memory_space<vmem>>, vector<4096x16xf32>
    %get3A_63 = arith.constant 0 : index
    %get3A_64 = arith.constant 0 : index
    %get3A_65 = vector.load %arg4[%get3A_63, %get3A_64] : memref<4096x16xf32, #tpu.memory_space<vmem>>, vector<4096x16xf32>
    %get3A_66 = arith.constant 0 : index
    %get3A_67 = arith.constant 0 : index
    %get3A_68 = vector.load %arg5[%get3A_66, %get3A_67] : memref<4096x16xf32, #tpu.memory_space<vmem>>, vector<4096x16xf32>
    %reduce_min3A = arith.constant dense<0x7F800000> : vector<4096xf32>
    %reduce_min3A_69 = vector.multi_reduction <minimumf>, %select_n3A, %reduce_min3A [1] : vector<4096x16xf32> to vector<4096xf32>
    %broadcast_in_dim3A_70 = vector.shape_cast %reduce_min3A_69 : vector<4096xf32> to vector<4096x1xf32>
    %eq3A = vector.broadcast %broadcast_in_dim3A_70 : vector<4096x1xf32> to vector<4096x16xf32>
    %eq3A_71 = arith.cmpf oeq, %select_n3A, %eq3A : vector<4096x16xf32>
    %jit3A_72 = arith.constant 10000 : i32
    %broadcast_in_dim3A_73 = vector.broadcast %jit3A_72 : i32 to vector<4096x16xi32>
    %select_n3A_74 = arith.select %eq3A_71, %get3A_59, %broadcast_in_dim3A_73 : vector<4096x16xi1>, vector<4096x16xi32>
    %reduce_min3A_75 = arith.constant dense<2147483647> : vector<4096xi32>
    %reduce_min3A_76 = vector.multi_reduction <minsi>, %select_n3A_74, %reduce_min3A_75 [1] : vector<4096x16xi32> to vector<4096xi32>
    %broadcast_in_dim3A_77 = vector.shape_cast %reduce_min3A_76 : vector<4096xi32> to vector<4096x1xi32>
    %eq3A_78 = vector.broadcast %broadcast_in_dim3A_77 : vector<4096x1xi32> to vector<4096x16xi32>
    %eq3A_79 = arith.cmpi eq, %get3A_59, %eq3A_78 : vector<4096x16xi32>
    %and3A = arith.andi %eq3A_71, %eq3A_79 : vector<4096x16xi1>
    %jit3A_80 = arith.constant 3.000000e+38 : f32
    %broadcast_in_dim3A_81 = vector.broadcast %jit3A_80 : f32 to vector<4096x16xf32>
    %select_n3A_82 = arith.select %and3A, %get3A_62, %broadcast_in_dim3A_81 : vector<4096x16xi1>, vector<4096x16xf32>
    %reduce_min3A_83 = arith.constant dense<0x7F800000> : vector<4096xf32>
    %reduce_min3A_84 = vector.multi_reduction <minimumf>, %select_n3A_82, %reduce_min3A_83 [1] : vector<4096x16xf32> to vector<4096xf32>
    %broadcast_in_dim3A_85 = vector.shape_cast %reduce_min3A_84 : vector<4096xf32> to vector<4096x1xf32>
    %jit3A_86 = arith.constant 3.000000e+38 : f32
    %broadcast_in_dim3A_87 = vector.broadcast %jit3A_86 : f32 to vector<4096x16xf32>
    %select_n3A_88 = arith.select %and3A, %get3A_65, %broadcast_in_dim3A_87 : vector<4096x16xi1>, vector<4096x16xf32>
    %reduce_min3A_89 = arith.constant dense<0x7F800000> : vector<4096xf32>
    %reduce_min3A_90 = vector.multi_reduction <minimumf>, %select_n3A_88, %reduce_min3A_89 [1] : vector<4096x16xf32> to vector<4096xf32>
    %broadcast_in_dim3A_91 = vector.shape_cast %reduce_min3A_90 : vector<4096xf32> to vector<4096x1xf32>
    %jit3A_92 = arith.constant 3.000000e+38 : f32
    %broadcast_in_dim3A_93 = vector.broadcast %jit3A_92 : f32 to vector<4096x16xf32>
    %select_n3A_94 = arith.select %and3A, %get3A_68, %broadcast_in_dim3A_93 : vector<4096x16xi1>, vector<4096x16xf32>
    %reduce_min3A_95 = arith.constant dense<0x7F800000> : vector<4096xf32>
    %reduce_min3A_96 = vector.multi_reduction <minimumf>, %select_n3A_94, %reduce_min3A_95 [1] : vector<4096x16xf32> to vector<4096xf32>
    %broadcast_in_dim3A_97 = vector.shape_cast %reduce_min3A_96 : vector<4096xf32> to vector<4096x1xf32>
    %jit3A_98 = arith.constant 3.000000e+38 : f32
    %broadcast_in_dim3A_99 = vector.broadcast %jit3A_98 : f32 to vector<4096x16xf32>
    %select_n3A_100 = arith.select %and3A, %broadcast_in_dim3A_99, %select_n3A : vector<4096x16xi1>, vector<4096x16xf32>
    %reduce_min3A_101 = arith.constant dense<0x7F800000> : vector<4096xf32>
    %reduce_min3A_102 = vector.multi_reduction <minimumf>, %select_n3A_100, %reduce_min3A_101 [1] : vector<4096x16xf32> to vector<4096xf32>
    %broadcast_in_dim3A_103 = vector.shape_cast %reduce_min3A_102 : vector<4096xf32> to vector<4096x1xf32>
    %eq3A_104 = vector.broadcast %broadcast_in_dim3A_103 : vector<4096x1xf32> to vector<4096x16xf32>
    %eq3A_105 = arith.cmpf oeq, %select_n3A_100, %eq3A_104 : vector<4096x16xf32>
    %jit3A_106 = arith.constant 10000 : i32
    %broadcast_in_dim3A_107 = vector.broadcast %jit3A_106 : i32 to vector<4096x16xi32>
    %select_n3A_108 = arith.select %eq3A_105, %get3A_59, %broadcast_in_dim3A_107 : vector<4096x16xi1>, vector<4096x16xi32>
    %reduce_min3A_109 = arith.constant dense<2147483647> : vector<4096xi32>
    %reduce_min3A_110 = vector.multi_reduction <minsi>, %select_n3A_108, %reduce_min3A_109 [1] : vector<4096x16xi32> to vector<4096xi32>
    %broadcast_in_dim3A_111 = vector.shape_cast %reduce_min3A_110 : vector<4096xi32> to vector<4096x1xi32>
    %eq3A_112 = vector.broadcast %broadcast_in_dim3A_111 : vector<4096x1xi32> to vector<4096x16xi32>
    %eq3A_113 = arith.cmpi eq, %get3A_59, %eq3A_112 : vector<4096x16xi32>
    %and3A_114 = arith.andi %eq3A_105, %eq3A_113 : vector<4096x16xi1>
    %jit3A_115 = arith.constant 3.000000e+38 : f32
    %broadcast_in_dim3A_116 = vector.broadcast %jit3A_115 : f32 to vector<4096x16xf32>
    %select_n3A_117 = arith.select %and3A_114, %get3A_62, %broadcast_in_dim3A_116 : vector<4096x16xi1>, vector<4096x16xf32>
    %reduce_min3A_118 = arith.constant dense<0x7F800000> : vector<4096xf32>
    %reduce_min3A_119 = vector.multi_reduction <minimumf>, %select_n3A_117, %reduce_min3A_118 [1] : vector<4096x16xf32> to vector<4096xf32>
    %broadcast_in_dim3A_120 = vector.shape_cast %reduce_min3A_119 : vector<4096xf32> to vector<4096x1xf32>
    %jit3A_121 = arith.constant 3.000000e+38 : f32
    %broadcast_in_dim3A_122 = vector.broadcast %jit3A_121 : f32 to vector<4096x16xf32>
    %select_n3A_123 = arith.select %and3A_114, %get3A_65, %broadcast_in_dim3A_122 : vector<4096x16xi1>, vector<4096x16xf32>
    %reduce_min3A_124 = arith.constant dense<0x7F800000> : vector<4096xf32>
    %reduce_min3A_125 = vector.multi_reduction <minimumf>, %select_n3A_123, %reduce_min3A_124 [1] : vector<4096x16xf32> to vector<4096xf32>
    %broadcast_in_dim3A_126 = vector.shape_cast %reduce_min3A_125 : vector<4096xf32> to vector<4096x1xf32>
    %jit3A_127 = arith.constant 3.000000e+38 : f32
    %broadcast_in_dim3A_128 = vector.broadcast %jit3A_127 : f32 to vector<4096x16xf32>
    %select_n3A_129 = arith.select %and3A_114, %get3A_68, %broadcast_in_dim3A_128 : vector<4096x16xi1>, vector<4096x16xf32>
    %reduce_min3A_130 = arith.constant dense<0x7F800000> : vector<4096xf32>
    %reduce_min3A_131 = vector.multi_reduction <minimumf>, %select_n3A_129, %reduce_min3A_130 [1] : vector<4096x16xf32> to vector<4096xf32>
    %broadcast_in_dim3A_132 = vector.shape_cast %reduce_min3A_131 : vector<4096xf32> to vector<4096x1xf32>
    %jit3A_133 = arith.constant 3.000000e+38 : f32
    %broadcast_in_dim3A_134 = vector.broadcast %jit3A_133 : f32 to vector<4096x16xf32>
    %select_n3A_135 = arith.select %and3A_114, %broadcast_in_dim3A_134, %select_n3A_100 : vector<4096x16xi1>, vector<4096x16xf32>
    %reduce_min3A_136 = arith.constant dense<0x7F800000> : vector<4096xf32>
    %reduce_min3A_137 = vector.multi_reduction <minimumf>, %select_n3A_135, %reduce_min3A_136 [1] : vector<4096x16xf32> to vector<4096xf32>
    %broadcast_in_dim3A_138 = vector.shape_cast %reduce_min3A_137 : vector<4096xf32> to vector<4096x1xf32>
    %eq3A_139 = vector.broadcast %broadcast_in_dim3A_138 : vector<4096x1xf32> to vector<4096x16xf32>
    %eq3A_140 = arith.cmpf oeq, %select_n3A_135, %eq3A_139 : vector<4096x16xf32>
    %jit3A_141 = arith.constant 10000 : i32
    %broadcast_in_dim3A_142 = vector.broadcast %jit3A_141 : i32 to vector<4096x16xi32>
    %select_n3A_143 = arith.select %eq3A_140, %get3A_59, %broadcast_in_dim3A_142 : vector<4096x16xi1>, vector<4096x16xi32>
    %reduce_min3A_144 = arith.constant dense<2147483647> : vector<4096xi32>
    %reduce_min3A_145 = vector.multi_reduction <minsi>, %select_n3A_143, %reduce_min3A_144 [1] : vector<4096x16xi32> to vector<4096xi32>
    %broadcast_in_dim3A_146 = vector.shape_cast %reduce_min3A_145 : vector<4096xi32> to vector<4096x1xi32>
    %eq3A_147 = vector.broadcast %broadcast_in_dim3A_146 : vector<4096x1xi32> to vector<4096x16xi32>
    %eq3A_148 = arith.cmpi eq, %get3A_59, %eq3A_147 : vector<4096x16xi32>
    %and3A_149 = arith.andi %eq3A_140, %eq3A_148 : vector<4096x16xi1>
    %jit3A_150 = arith.constant 3.000000e+38 : f32
    %broadcast_in_dim3A_151 = vector.broadcast %jit3A_150 : f32 to vector<4096x16xf32>
    %select_n3A_152 = arith.select %and3A_149, %get3A_62, %broadcast_in_dim3A_151 : vector<4096x16xi1>, vector<4096x16xf32>
    %reduce_min3A_153 = arith.constant dense<0x7F800000> : vector<4096xf32>
    %reduce_min3A_154 = vector.multi_reduction <minimumf>, %select_n3A_152, %reduce_min3A_153 [1] : vector<4096x16xf32> to vector<4096xf32>
    %broadcast_in_dim3A_155 = vector.shape_cast %reduce_min3A_154 : vector<4096xf32> to vector<4096x1xf32>
    %jit3A_156 = arith.constant 3.000000e+38 : f32
    %broadcast_in_dim3A_157 = vector.broadcast %jit3A_156 : f32 to vector<4096x16xf32>
    %select_n3A_158 = arith.select %and3A_149, %get3A_65, %broadcast_in_dim3A_157 : vector<4096x16xi1>, vector<4096x16xf32>
    %reduce_min3A_159 = arith.constant dense<0x7F800000> : vector<4096xf32>
    %reduce_min3A_160 = vector.multi_reduction <minimumf>, %select_n3A_158, %reduce_min3A_159 [1] : vector<4096x16xf32> to vector<4096xf32>
    %broadcast_in_dim3A_161 = vector.shape_cast %reduce_min3A_160 : vector<4096xf32> to vector<4096x1xf32>
    %jit3A_162 = arith.constant 3.000000e+38 : f32
    %broadcast_in_dim3A_163 = vector.broadcast %jit3A_162 : f32 to vector<4096x16xf32>
    %select_n3A_164 = arith.select %and3A_149, %get3A_68, %broadcast_in_dim3A_163 : vector<4096x16xi1>, vector<4096x16xf32>
    %reduce_min3A_165 = arith.constant dense<0x7F800000> : vector<4096xf32>
    %reduce_min3A_166 = vector.multi_reduction <minimumf>, %select_n3A_164, %reduce_min3A_165 [1] : vector<4096x16xf32> to vector<4096xf32>
    %broadcast_in_dim3A_167 = vector.shape_cast %reduce_min3A_166 : vector<4096xf32> to vector<4096x1xf32>
    %jit3A_168 = arith.constant 3.000000e+38 : f32
    %broadcast_in_dim3A_169 = vector.broadcast %jit3A_168 : f32 to vector<4096x16xf32>
    %select_n3A_170 = arith.select %and3A_149, %broadcast_in_dim3A_169, %select_n3A_135 : vector<4096x16xi1>, vector<4096x16xf32>
    %reduce_min3A_171 = arith.constant dense<0x7F800000> : vector<4096xf32>
    %reduce_min3A_172 = vector.multi_reduction <minimumf>, %select_n3A_170, %reduce_min3A_171 [1] : vector<4096x16xf32> to vector<4096xf32>
    %broadcast_in_dim3A_173 = vector.shape_cast %reduce_min3A_172 : vector<4096xf32> to vector<4096x1xf32>
    %eq3A_174 = vector.broadcast %broadcast_in_dim3A_173 : vector<4096x1xf32> to vector<4096x16xf32>
    %eq3A_175 = arith.cmpf oeq, %select_n3A_170, %eq3A_174 : vector<4096x16xf32>
    %jit3A_176 = arith.constant 10000 : i32
    %broadcast_in_dim3A_177 = vector.broadcast %jit3A_176 : i32 to vector<4096x16xi32>
    %select_n3A_178 = arith.select %eq3A_175, %get3A_59, %broadcast_in_dim3A_177 : vector<4096x16xi1>, vector<4096x16xi32>
    %reduce_min3A_179 = arith.constant dense<2147483647> : vector<4096xi32>
    %reduce_min3A_180 = vector.multi_reduction <minsi>, %select_n3A_178, %reduce_min3A_179 [1] : vector<4096x16xi32> to vector<4096xi32>
    %broadcast_in_dim3A_181 = vector.shape_cast %reduce_min3A_180 : vector<4096xi32> to vector<4096x1xi32>
    %eq3A_182 = vector.broadcast %broadcast_in_dim3A_181 : vector<4096x1xi32> to vector<4096x16xi32>
    %eq3A_183 = arith.cmpi eq, %get3A_59, %eq3A_182 : vector<4096x16xi32>
    %and3A_184 = arith.andi %eq3A_175, %eq3A_183 : vector<4096x16xi1>
    %jit3A_185 = arith.constant 3.000000e+38 : f32
    %broadcast_in_dim3A_186 = vector.broadcast %jit3A_185 : f32 to vector<4096x16xf32>
    %select_n3A_187 = arith.select %and3A_184, %get3A_62, %broadcast_in_dim3A_186 : vector<4096x16xi1>, vector<4096x16xf32>
    %reduce_min3A_188 = arith.constant dense<0x7F800000> : vector<4096xf32>
    %reduce_min3A_189 = vector.multi_reduction <minimumf>, %select_n3A_187, %reduce_min3A_188 [1] : vector<4096x16xf32> to vector<4096xf32>
    %broadcast_in_dim3A_190 = vector.shape_cast %reduce_min3A_189 : vector<4096xf32> to vector<4096x1xf32>
    %jit3A_191 = arith.constant 3.000000e+38 : f32
    %broadcast_in_dim3A_192 = vector.broadcast %jit3A_191 : f32 to vector<4096x16xf32>
    %select_n3A_193 = arith.select %and3A_184, %get3A_65, %broadcast_in_dim3A_192 : vector<4096x16xi1>, vector<4096x16xf32>
    %reduce_min3A_194 = arith.constant dense<0x7F800000> : vector<4096xf32>
    %reduce_min3A_195 = vector.multi_reduction <minimumf>, %select_n3A_193, %reduce_min3A_194 [1] : vector<4096x16xf32> to vector<4096xf32>
    %broadcast_in_dim3A_196 = vector.shape_cast %reduce_min3A_195 : vector<4096xf32> to vector<4096x1xf32>
    %jit3A_197 = arith.constant 3.000000e+38 : f32
    %broadcast_in_dim3A_198 = vector.broadcast %jit3A_197 : f32 to vector<4096x16xf32>
    %select_n3A_199 = arith.select %and3A_184, %get3A_68, %broadcast_in_dim3A_198 : vector<4096x16xi1>, vector<4096x16xf32>
    %reduce_min3A_200 = arith.constant dense<0x7F800000> : vector<4096xf32>
    %reduce_min3A_201 = vector.multi_reduction <minimumf>, %select_n3A_199, %reduce_min3A_200 [1] : vector<4096x16xf32> to vector<4096xf32>
    %broadcast_in_dim3A_202 = vector.shape_cast %reduce_min3A_201 : vector<4096xf32> to vector<4096x1xf32>
    %jit3A_203 = arith.constant 3.000000e+38 : f32
    %broadcast_in_dim3A_204 = vector.broadcast %jit3A_203 : f32 to vector<4096x16xf32>
    %select_n3A_205 = arith.select %and3A_184, %broadcast_in_dim3A_204, %select_n3A_170 : vector<4096x16xi1>, vector<4096x16xf32>
    %reduce_min3A_206 = arith.constant dense<0x7F800000> : vector<4096xf32>
    %reduce_min3A_207 = vector.multi_reduction <minimumf>, %select_n3A_205, %reduce_min3A_206 [1] : vector<4096x16xf32> to vector<4096xf32>
    %broadcast_in_dim3A_208 = vector.shape_cast %reduce_min3A_207 : vector<4096xf32> to vector<4096x1xf32>
    %eq3A_209 = vector.broadcast %broadcast_in_dim3A_208 : vector<4096x1xf32> to vector<4096x16xf32>
    %eq3A_210 = arith.cmpf oeq, %select_n3A_205, %eq3A_209 : vector<4096x16xf32>
    %jit3A_211 = arith.constant 10000 : i32
    %broadcast_in_dim3A_212 = vector.broadcast %jit3A_211 : i32 to vector<4096x16xi32>
    %select_n3A_213 = arith.select %eq3A_210, %get3A_59, %broadcast_in_dim3A_212 : vector<4096x16xi1>, vector<4096x16xi32>
    %reduce_min3A_214 = arith.constant dense<2147483647> : vector<4096xi32>
    %reduce_min3A_215 = vector.multi_reduction <minsi>, %select_n3A_213, %reduce_min3A_214 [1] : vector<4096x16xi32> to vector<4096xi32>
    %broadcast_in_dim3A_216 = vector.shape_cast %reduce_min3A_215 : vector<4096xi32> to vector<4096x1xi32>
    %eq3A_217 = vector.broadcast %broadcast_in_dim3A_216 : vector<4096x1xi32> to vector<4096x16xi32>
    %eq3A_218 = arith.cmpi eq, %get3A_59, %eq3A_217 : vector<4096x16xi32>
    %and3A_219 = arith.andi %eq3A_210, %eq3A_218 : vector<4096x16xi1>
    %jit3A_220 = arith.constant 3.000000e+38 : f32
    %broadcast_in_dim3A_221 = vector.broadcast %jit3A_220 : f32 to vector<4096x16xf32>
    %select_n3A_222 = arith.select %and3A_219, %get3A_62, %broadcast_in_dim3A_221 : vector<4096x16xi1>, vector<4096x16xf32>
    %reduce_min3A_223 = arith.constant dense<0x7F800000> : vector<4096xf32>
    %reduce_min3A_224 = vector.multi_reduction <minimumf>, %select_n3A_222, %reduce_min3A_223 [1] : vector<4096x16xf32> to vector<4096xf32>
    %broadcast_in_dim3A_225 = vector.shape_cast %reduce_min3A_224 : vector<4096xf32> to vector<4096x1xf32>
    %jit3A_226 = arith.constant 3.000000e+38 : f32
    %broadcast_in_dim3A_227 = vector.broadcast %jit3A_226 : f32 to vector<4096x16xf32>
    %select_n3A_228 = arith.select %and3A_219, %get3A_65, %broadcast_in_dim3A_227 : vector<4096x16xi1>, vector<4096x16xf32>
    %reduce_min3A_229 = arith.constant dense<0x7F800000> : vector<4096xf32>
    %reduce_min3A_230 = vector.multi_reduction <minimumf>, %select_n3A_228, %reduce_min3A_229 [1] : vector<4096x16xf32> to vector<4096xf32>
    %broadcast_in_dim3A_231 = vector.shape_cast %reduce_min3A_230 : vector<4096xf32> to vector<4096x1xf32>
    %jit3A_232 = arith.constant 3.000000e+38 : f32
    %broadcast_in_dim3A_233 = vector.broadcast %jit3A_232 : f32 to vector<4096x16xf32>
    %select_n3A_234 = arith.select %and3A_219, %get3A_68, %broadcast_in_dim3A_233 : vector<4096x16xi1>, vector<4096x16xf32>
    %reduce_min3A_235 = arith.constant dense<0x7F800000> : vector<4096xf32>
    %reduce_min3A_236 = vector.multi_reduction <minimumf>, %select_n3A_234, %reduce_min3A_235 [1] : vector<4096x16xf32> to vector<4096xf32>
    %broadcast_in_dim3A_237 = vector.shape_cast %reduce_min3A_236 : vector<4096xf32> to vector<4096x1xf32>
    %jit3A_238 = arith.constant 3.000000e+38 : f32
    %broadcast_in_dim3A_239 = vector.broadcast %jit3A_238 : f32 to vector<4096x16xf32>
    %select_n3A_240 = arith.select %and3A_219, %broadcast_in_dim3A_239, %select_n3A_205 : vector<4096x16xi1>, vector<4096x16xf32>
    %reduce_min3A_241 = arith.constant dense<0x7F800000> : vector<4096xf32>
    %reduce_min3A_242 = vector.multi_reduction <minimumf>, %select_n3A_240, %reduce_min3A_241 [1] : vector<4096x16xf32> to vector<4096xf32>
    %broadcast_in_dim3A_243 = vector.shape_cast %reduce_min3A_242 : vector<4096xf32> to vector<4096x1xf32>
    %eq3A_244 = vector.broadcast %broadcast_in_dim3A_243 : vector<4096x1xf32> to vector<4096x16xf32>
    %eq3A_245 = arith.cmpf oeq, %select_n3A_240, %eq3A_244 : vector<4096x16xf32>
    %jit3A_246 = arith.constant 10000 : i32
    %broadcast_in_dim3A_247 = vector.broadcast %jit3A_246 : i32 to vector<4096x16xi32>
    %select_n3A_248 = arith.select %eq3A_245, %get3A_59, %broadcast_in_dim3A_247 : vector<4096x16xi1>, vector<4096x16xi32>
    %reduce_min3A_249 = arith.constant dense<2147483647> : vector<4096xi32>
    %reduce_min3A_250 = vector.multi_reduction <minsi>, %select_n3A_248, %reduce_min3A_249 [1] : vector<4096x16xi32> to vector<4096xi32>
    %broadcast_in_dim3A_251 = vector.shape_cast %reduce_min3A_250 : vector<4096xi32> to vector<4096x1xi32>
    %eq3A_252 = vector.broadcast %broadcast_in_dim3A_251 : vector<4096x1xi32> to vector<4096x16xi32>
    %eq3A_253 = arith.cmpi eq, %get3A_59, %eq3A_252 : vector<4096x16xi32>
    %and3A_254 = arith.andi %eq3A_245, %eq3A_253 : vector<4096x16xi1>
    %jit3A_255 = arith.constant 3.000000e+38 : f32
    %broadcast_in_dim3A_256 = vector.broadcast %jit3A_255 : f32 to vector<4096x16xf32>
    %select_n3A_257 = arith.select %and3A_254, %get3A_62, %broadcast_in_dim3A_256 : vector<4096x16xi1>, vector<4096x16xf32>
    %reduce_min3A_258 = arith.constant dense<0x7F800000> : vector<4096xf32>
    %reduce_min3A_259 = vector.multi_reduction <minimumf>, %select_n3A_257, %reduce_min3A_258 [1] : vector<4096x16xf32> to vector<4096xf32>
    %broadcast_in_dim3A_260 = vector.shape_cast %reduce_min3A_259 : vector<4096xf32> to vector<4096x1xf32>
    %jit3A_261 = arith.constant 3.000000e+38 : f32
    %broadcast_in_dim3A_262 = vector.broadcast %jit3A_261 : f32 to vector<4096x16xf32>
    %select_n3A_263 = arith.select %and3A_254, %get3A_65, %broadcast_in_dim3A_262 : vector<4096x16xi1>, vector<4096x16xf32>
    %reduce_min3A_264 = arith.constant dense<0x7F800000> : vector<4096xf32>
    %reduce_min3A_265 = vector.multi_reduction <minimumf>, %select_n3A_263, %reduce_min3A_264 [1] : vector<4096x16xf32> to vector<4096xf32>
    %broadcast_in_dim3A_266 = vector.shape_cast %reduce_min3A_265 : vector<4096xf32> to vector<4096x1xf32>
    %jit3A_267 = arith.constant 3.000000e+38 : f32
    %broadcast_in_dim3A_268 = vector.broadcast %jit3A_267 : f32 to vector<4096x16xf32>
    %select_n3A_269 = arith.select %and3A_254, %get3A_68, %broadcast_in_dim3A_268 : vector<4096x16xi1>, vector<4096x16xf32>
    %reduce_min3A_270 = arith.constant dense<0x7F800000> : vector<4096xf32>
    %reduce_min3A_271 = vector.multi_reduction <minimumf>, %select_n3A_269, %reduce_min3A_270 [1] : vector<4096x16xf32> to vector<4096xf32>
    %broadcast_in_dim3A_272 = vector.shape_cast %reduce_min3A_271 : vector<4096xf32> to vector<4096x1xf32>
    %jit3A_273 = arith.constant 3.000000e+38 : f32
    %broadcast_in_dim3A_274 = vector.broadcast %jit3A_273 : f32 to vector<4096x16xf32>
    %select_n3A_275 = arith.select %and3A_254, %broadcast_in_dim3A_274, %select_n3A_240 : vector<4096x16xi1>, vector<4096x16xf32>
    %reduce_min3A_276 = arith.constant dense<0x7F800000> : vector<4096xf32>
    %reduce_min3A_277 = vector.multi_reduction <minimumf>, %select_n3A_275, %reduce_min3A_276 [1] : vector<4096x16xf32> to vector<4096xf32>
    %broadcast_in_dim3A_278 = vector.shape_cast %reduce_min3A_277 : vector<4096xf32> to vector<4096x1xf32>
    %eq3A_279 = vector.broadcast %broadcast_in_dim3A_278 : vector<4096x1xf32> to vector<4096x16xf32>
    %eq3A_280 = arith.cmpf oeq, %select_n3A_275, %eq3A_279 : vector<4096x16xf32>
    %jit3A_281 = arith.constant 10000 : i32
    %broadcast_in_dim3A_282 = vector.broadcast %jit3A_281 : i32 to vector<4096x16xi32>
    %select_n3A_283 = arith.select %eq3A_280, %get3A_59, %broadcast_in_dim3A_282 : vector<4096x16xi1>, vector<4096x16xi32>
    %reduce_min3A_284 = arith.constant dense<2147483647> : vector<4096xi32>
    %reduce_min3A_285 = vector.multi_reduction <minsi>, %select_n3A_283, %reduce_min3A_284 [1] : vector<4096x16xi32> to vector<4096xi32>
    %broadcast_in_dim3A_286 = vector.shape_cast %reduce_min3A_285 : vector<4096xi32> to vector<4096x1xi32>
    %eq3A_287 = vector.broadcast %broadcast_in_dim3A_286 : vector<4096x1xi32> to vector<4096x16xi32>
    %eq3A_288 = arith.cmpi eq, %get3A_59, %eq3A_287 : vector<4096x16xi32>
    %and3A_289 = arith.andi %eq3A_280, %eq3A_288 : vector<4096x16xi1>
    %jit3A_290 = arith.constant 3.000000e+38 : f32
    %broadcast_in_dim3A_291 = vector.broadcast %jit3A_290 : f32 to vector<4096x16xf32>
    %select_n3A_292 = arith.select %and3A_289, %get3A_62, %broadcast_in_dim3A_291 : vector<4096x16xi1>, vector<4096x16xf32>
    %reduce_min3A_293 = arith.constant dense<0x7F800000> : vector<4096xf32>
    %reduce_min3A_294 = vector.multi_reduction <minimumf>, %select_n3A_292, %reduce_min3A_293 [1] : vector<4096x16xf32> to vector<4096xf32>
    %broadcast_in_dim3A_295 = vector.shape_cast %reduce_min3A_294 : vector<4096xf32> to vector<4096x1xf32>
    %jit3A_296 = arith.constant 3.000000e+38 : f32
    %broadcast_in_dim3A_297 = vector.broadcast %jit3A_296 : f32 to vector<4096x16xf32>
    %select_n3A_298 = arith.select %and3A_289, %get3A_65, %broadcast_in_dim3A_297 : vector<4096x16xi1>, vector<4096x16xf32>
    %reduce_min3A_299 = arith.constant dense<0x7F800000> : vector<4096xf32>
    %reduce_min3A_300 = vector.multi_reduction <minimumf>, %select_n3A_298, %reduce_min3A_299 [1] : vector<4096x16xf32> to vector<4096xf32>
    %broadcast_in_dim3A_301 = vector.shape_cast %reduce_min3A_300 : vector<4096xf32> to vector<4096x1xf32>
    %jit3A_302 = arith.constant 3.000000e+38 : f32
    %broadcast_in_dim3A_303 = vector.broadcast %jit3A_302 : f32 to vector<4096x16xf32>
    %select_n3A_304 = arith.select %and3A_289, %get3A_68, %broadcast_in_dim3A_303 : vector<4096x16xi1>, vector<4096x16xf32>
    %reduce_min3A_305 = arith.constant dense<0x7F800000> : vector<4096xf32>
    %reduce_min3A_306 = vector.multi_reduction <minimumf>, %select_n3A_304, %reduce_min3A_305 [1] : vector<4096x16xf32> to vector<4096xf32>
    %broadcast_in_dim3A_307 = vector.shape_cast %reduce_min3A_306 : vector<4096xf32> to vector<4096x1xf32>
    %jit3A_308 = arith.constant 3.000000e+38 : f32
    %broadcast_in_dim3A_309 = vector.broadcast %jit3A_308 : f32 to vector<4096x16xf32>
    %select_n3A_310 = arith.select %and3A_289, %broadcast_in_dim3A_309, %select_n3A_275 : vector<4096x16xi1>, vector<4096x16xf32>
    %reduce_min3A_311 = arith.constant dense<0x7F800000> : vector<4096xf32>
    %reduce_min3A_312 = vector.multi_reduction <minimumf>, %select_n3A_310, %reduce_min3A_311 [1] : vector<4096x16xf32> to vector<4096xf32>
    %broadcast_in_dim3A_313 = vector.shape_cast %reduce_min3A_312 : vector<4096xf32> to vector<4096x1xf32>
    %eq3A_314 = vector.broadcast %broadcast_in_dim3A_313 : vector<4096x1xf32> to vector<4096x16xf32>
    %eq3A_315 = arith.cmpf oeq, %select_n3A_310, %eq3A_314 : vector<4096x16xf32>
    %jit3A_316 = arith.constant 10000 : i32
    %broadcast_in_dim3A_317 = vector.broadcast %jit3A_316 : i32 to vector<4096x16xi32>
    %select_n3A_318 = arith.select %eq3A_315, %get3A_59, %broadcast_in_dim3A_317 : vector<4096x16xi1>, vector<4096x16xi32>
    %reduce_min3A_319 = arith.constant dense<2147483647> : vector<4096xi32>
    %reduce_min3A_320 = vector.multi_reduction <minsi>, %select_n3A_318, %reduce_min3A_319 [1] : vector<4096x16xi32> to vector<4096xi32>
    %broadcast_in_dim3A_321 = vector.shape_cast %reduce_min3A_320 : vector<4096xi32> to vector<4096x1xi32>
    %eq3A_322 = vector.broadcast %broadcast_in_dim3A_321 : vector<4096x1xi32> to vector<4096x16xi32>
    %eq3A_323 = arith.cmpi eq, %get3A_59, %eq3A_322 : vector<4096x16xi32>
    %and3A_324 = arith.andi %eq3A_315, %eq3A_323 : vector<4096x16xi1>
    %jit3A_325 = arith.constant 3.000000e+38 : f32
    %broadcast_in_dim3A_326 = vector.broadcast %jit3A_325 : f32 to vector<4096x16xf32>
    %select_n3A_327 = arith.select %and3A_324, %get3A_62, %broadcast_in_dim3A_326 : vector<4096x16xi1>, vector<4096x16xf32>
    %reduce_min3A_328 = arith.constant dense<0x7F800000> : vector<4096xf32>
    %reduce_min3A_329 = vector.multi_reduction <minimumf>, %select_n3A_327, %reduce_min3A_328 [1] : vector<4096x16xf32> to vector<4096xf32>
    %broadcast_in_dim3A_330 = vector.shape_cast %reduce_min3A_329 : vector<4096xf32> to vector<4096x1xf32>
    %jit3A_331 = arith.constant 3.000000e+38 : f32
    %broadcast_in_dim3A_332 = vector.broadcast %jit3A_331 : f32 to vector<4096x16xf32>
    %select_n3A_333 = arith.select %and3A_324, %get3A_65, %broadcast_in_dim3A_332 : vector<4096x16xi1>, vector<4096x16xf32>
    %reduce_min3A_334 = arith.constant dense<0x7F800000> : vector<4096xf32>
    %reduce_min3A_335 = vector.multi_reduction <minimumf>, %select_n3A_333, %reduce_min3A_334 [1] : vector<4096x16xf32> to vector<4096xf32>
    %broadcast_in_dim3A_336 = vector.shape_cast %reduce_min3A_335 : vector<4096xf32> to vector<4096x1xf32>
    %jit3A_337 = arith.constant 3.000000e+38 : f32
    %broadcast_in_dim3A_338 = vector.broadcast %jit3A_337 : f32 to vector<4096x16xf32>
    %select_n3A_339 = arith.select %and3A_324, %get3A_68, %broadcast_in_dim3A_338 : vector<4096x16xi1>, vector<4096x16xf32>
    %reduce_min3A_340 = arith.constant dense<0x7F800000> : vector<4096xf32>
    %reduce_min3A_341 = vector.multi_reduction <minimumf>, %select_n3A_339, %reduce_min3A_340 [1] : vector<4096x16xf32> to vector<4096xf32>
    %broadcast_in_dim3A_342 = vector.shape_cast %reduce_min3A_341 : vector<4096xf32> to vector<4096x1xf32>
    %concatenate3A = tpu.concatenate %broadcast_in_dim3A_70, %broadcast_in_dim3A_103, %broadcast_in_dim3A_138, %broadcast_in_dim3A_173, %broadcast_in_dim3A_208, %broadcast_in_dim3A_243, %broadcast_in_dim3A_278, %broadcast_in_dim3A_313 in 1 : vector<4096x1xf32>, vector<4096x1xf32>, vector<4096x1xf32>, vector<4096x1xf32>, vector<4096x1xf32>, vector<4096x1xf32>, vector<4096x1xf32>, vector<4096x1xf32> -> vector<4096x8xf32>
    %swap3A = arith.constant 0 : index
    %swap3A_343 = arith.constant 0 : index
    %swap3A_344 = vector.load %arg6[%swap3A, %swap3A_343] : memref<4096x8xf32, #tpu.memory_space<vmem>>, vector<4096x8xf32>
    tpu.vector_store %arg6[%swap3A, %swap3A_343], %concatenate3A {strides = array<i32>} : memref<4096x8xf32, #tpu.memory_space<vmem>>, vector<4096x8xf32>,
    %concatenate3A_345 = tpu.concatenate %broadcast_in_dim3A_77, %broadcast_in_dim3A_111, %broadcast_in_dim3A_146, %broadcast_in_dim3A_181, %broadcast_in_dim3A_216, %broadcast_in_dim3A_251, %broadcast_in_dim3A_286, %broadcast_in_dim3A_321 in 1 : vector<4096x1xi32>, vector<4096x1xi32>, vector<4096x1xi32>, vector<4096x1xi32>, vector<4096x1xi32>, vector<4096x1xi32>, vector<4096x1xi32>, vector<4096x1xi32> -> vector<4096x8xi32>
    %swap3A_346 = arith.constant 0 : index
    %swap3A_347 = arith.constant 0 : index
    %swap3A_348 = vector.load %arg7[%swap3A_346, %swap3A_347] : memref<4096x8xi32, #tpu.memory_space<vmem>>, vector<4096x8xi32>
    tpu.vector_store %arg7[%swap3A_346, %swap3A_347], %concatenate3A_345 {strides = array<i32>} : memref<4096x8xi32, #tpu.memory_space<vmem>>, vector<4096x8xi32>,
    %concatenate3A_349 = tpu.concatenate %broadcast_in_dim3A_85, %broadcast_in_dim3A_120, %broadcast_in_dim3A_155, %broadcast_in_dim3A_190, %broadcast_in_dim3A_225, %broadcast_in_dim3A_260, %broadcast_in_dim3A_295, %broadcast_in_dim3A_330 in 1 : vector<4096x1xf32>, vector<4096x1xf32>, vector<4096x1xf32>, vector<4096x1xf32>, vector<4096x1xf32>, vector<4096x1xf32>, vector<4096x1xf32>, vector<4096x1xf32> -> vector<4096x8xf32>
    %sub3A_350 = vector.broadcast %get3A_1 : vector<4096x1xf32> to vector<4096x8xf32>
    %sub3A_351 = arith.subf %concatenate3A_349, %sub3A_350 : vector<4096x8xf32>
    %swap3A_352 = arith.constant 0 : index
    %swap3A_353 = arith.constant 0 : index
    %swap3A_354 = vector.load %arg8[%swap3A_352, %swap3A_353] : memref<4096x8xf32, #tpu.memory_space<vmem>>, vector<4096x8xf32>
    tpu.vector_store %arg8[%swap3A_352, %swap3A_353], %sub3A_351 {strides = array<i32>} : memref<4096x8xf32, #tpu.memory_space<vmem>>, vector<4096x8xf32>,
    %concatenate3A_355 = tpu.concatenate %broadcast_in_dim3A_91, %broadcast_in_dim3A_126, %broadcast_in_dim3A_161, %broadcast_in_dim3A_196, %broadcast_in_dim3A_231, %broadcast_in_dim3A_266, %broadcast_in_dim3A_301, %broadcast_in_dim3A_336 in 1 : vector<4096x1xf32>, vector<4096x1xf32>, vector<4096x1xf32>, vector<4096x1xf32>, vector<4096x1xf32>, vector<4096x1xf32>, vector<4096x1xf32>, vector<4096x1xf32> -> vector<4096x8xf32>
    %sub3A_356 = vector.broadcast %get3A_4 : vector<4096x1xf32> to vector<4096x8xf32>
    %sub3A_357 = arith.subf %concatenate3A_355, %sub3A_356 : vector<4096x8xf32>
    %swap3A_358 = arith.constant 0 : index
    %swap3A_359 = arith.constant 0 : index
    %swap3A_360 = vector.load %arg9[%swap3A_358, %swap3A_359] : memref<4096x8xf32, #tpu.memory_space<vmem>>, vector<4096x8xf32>
    tpu.vector_store %arg9[%swap3A_358, %swap3A_359], %sub3A_357 {strides = array<i32>} : memref<4096x8xf32, #tpu.memory_space<vmem>>, vector<4096x8xf32>,
    %concatenate3A_361 = tpu.concatenate %broadcast_in_dim3A_97, %broadcast_in_dim3A_132, %broadcast_in_dim3A_167, %broadcast_in_dim3A_202, %broadcast_in_dim3A_237, %broadcast_in_dim3A_272, %broadcast_in_dim3A_307, %broadcast_in_dim3A_342 in 1 : vector<4096x1xf32>, vector<4096x1xf32>, vector<4096x1xf32>, vector<4096x1xf32>, vector<4096x1xf32>, vector<4096x1xf32>, vector<4096x1xf32>, vector<4096x1xf32> -> vector<4096x8xf32>
    %sub3A_362 = vector.broadcast %get3A_7 : vector<4096x1xf32> to vector<4096x8xf32>
    %sub3A_363 = arith.subf %concatenate3A_361, %sub3A_362 : vector<4096x8xf32>
    %swap3A_364 = arith.constant 0 : index
    %swap3A_365 = arith.constant 0 : index
    %swap3A_366 = vector.load %arg10[%swap3A_364, %swap3A_365] : memref<4096x8xf32, #tpu.memory_space<vmem>>, vector<4096x8xf32>
    tpu.vector_store %arg10[%swap3A_364, %swap3A_365], %sub3A_363 {strides = array<i32>} : memref<4096x8xf32, #tpu.memory_space<vmem>>, vector<4096x8xf32>,
    return
  }
}

</mosaic_0001>

<sc_bundles>
// kernel: kernel.4.cloned.1.call-start
scs
__scs_entry_jumppad:
0x0: {  	(pc) =	sbr.rel $0x88, $3  }
0x1: {  	(tag) =	ssettag $0x0;
	lr =	simm.s32 $0x1  }
0x2: {  	[smem:$0x3F9E] =	sst lr;
	_ =	strace $0xD0000000  }
0x3: {  	_ = 	snop  }
0x4: {  	_ = 	snop  }
0x5: {  	_ = 	snop  }
0x6: {  	_ = 	snop  }
0x7: {  	_ = 	snop  }
__scs_overlays_trampoline_lowered:
0x8: {  	[smem:$0x3FAD] =	sst s0  }
0x9: {  	[smem:$0x3FAE] =	sst s1  }
0xa: {  	[smem:$0x3FAF] =	sst s2  }
0xb: {  	[smem:$0x3FB0] =	sst s3  }
0xc: {  	[smem:$0x3FB1] =	sst s4  }
0xd: {  	[smem:$0x3FB2] =	sst s5  }
0xe: {  	[smem:$0x3FB3] =	sst s6  }
0xf: {  	[smem:$0x3FB4] =	sst s7  }
0x10: {  	[smem:$0x3FB5] =	sst s8  }
0x11: {  	[smem:$0x3FB6] =	sst s9;
	s0 =	simm.s32 @!p0 $0x0  }
0x12: {  	s1 =	sld [smem:$0x3F9C];
	s0 =	simm.s32 @p0 $0x1  }
0x13: {  	[smem:$0x3FB7] =	sst s0;
	s0 =	simm.s32 @!p1 $0x0  }
0x14: {  	s2 =	sld [smem:$0x3F9B];
	s0 =	simm.s32 @p1 $0x1  }
0x15: {  	[smem:$0x3FB8] =	sst s0;
	s0 =	simm.s32 @!p2 $0x0  }
0x16: {  	s3 =	sld [smem:$0x3FDB];
	s0 =	simm.s32 @p2 $0x1  }
0x17: {  	s4 =	simm.s32 $0x1BF5;
	[smem:$0x3FBA] =	sst s0  }
0x18: {  	s0 =	sld [smem:$0x3F9D];
	_ =	swait.ge [sflag:s4], $0x0  }
0x19: {  	s7 =	sld [smem:$0x3F9E]  }
0x1a: {  	s8 =	sadd.s32 $0xFFFFE003, lr  }
0x1b: {  	s9 =	sadd.s32 $0xFFFFFEF7, lr;
	s5 =	simm.s32 $0xFFFFFFFF;
	p2 =	slt.u32 s8, $0xFFFFF086  }
0x1c: {  	p1 =	slt.u32 s9, $0xF7A;
	s5 =	simm.s32 @!p2 $0x0  }
0x1d: {  	s5 =	simm.s32 @p1 $0x1;
	p0 =	seq.s32 s7, s2  }
0x1e: {  	s7 =	smul.u32 @!p0 $0xF7A, s2;
	p2 =	seq.s32 @!p0 s5, $0x0  }
0x1f: {  	s9 =	smul.u32 $0xF7A, s1;
	s8 =	simm.s32 @!p0 $0x1BF5;
	p2 =	por !p2, p0  }
0x20: {  	[sflag:s8] =	ssyncset.s32 @!p0 $0xFFFFF086;
	s6 =	sadd.s32 @!p0 s3, s7;
	s7 =	simm.s32 @!p0 $0x108  }
0x21: {  	s3 =	sadd.s32 s3, s9;
	s6 =	sadd.s32 @!p0 $0x88, s6;
	s7 =	simm.s32 @p2 $0x1082  }
0x22: {  	[simem:s7], [sflag:s8] =	dma.local @!p0 [hbm:s6], $0xF7A  }
0x23: {  	s9 =	sor.u32 $0xD0000000, s2;
	s6 =	simm.s32 $0x108;
	_ =	swait.ge @!p0 [sflag:s8], $0x0  }
0x24: {  	s3 =	sadd.s32 $0x88, s3;
	s6 =	simm.s32 @!p1 $0x1082;
	[sflag:s4] =	ssyncset.s32 $0xFFFFF086  }
0x25: {  	[simem:s6], [sflag:s4] =	dma.local [hbm:s3], $0xF7A  }
0x26: {  	[smem:$0x3F9E] =	sst s1;
	(tag) =	ssettag s2;
	_ =	strace s9  }
0x27: {  	s1 =	sld [smem:$0x3FAE]  }
0x28: {  	s2 =	sld [smem:$0x3FAF]  }
0x29: {  	s4 =	sld [smem:$0x3FB1]  }
0x2a: {  	p0 =	seq.s32 s5, $0x0;
	s5 =	sld [smem:$0x3FB2]  }
0x2b: {  	s6 =	sld [smem:$0x3FB3]  }
0x2c: {  	s7 =	sld [smem:$0x3FB4]  }
0x2d: {  	s3 =	simm.s32 $0x108;
	s8 =	sld [smem:$0x3FB5]  }
0x2e: {  	s3 =	simm.s32 @!p0 $0x1082;
	s9 =	sld [smem:$0x3FB6]  }
0x2f: {  	lr =	sadd.s32 s0, s3;
	s0 =	sld [smem:$0x3FAD]  }
0x30: {  	s3 =	sld [smem:$0x3FB0]  }
0x31: {  	[smem:$0x3FB9] =	sst s10  }
0x32: {  	s10 =	sld [smem:$0x3FB7];
	_ =	sdelay $0x3  }
0x33: {  	p0 =	seq.s32 s10, $0x1;
	s10 =	sld [smem:$0x3FB9];
	_ =	sdelay $0x3  }
0x34: {  	[smem:$0x3FB9] =	sst s10  }
0x35: {  	s10 =	sld [smem:$0x3FB8];
	_ =	sdelay $0x3  }
0x36: {  	p1 =	seq.s32 s10, $0x1;
	s10 =	sld [smem:$0x3FB9];
	_ =	sdelay $0x3  }
0x37: {  	[smem:$0x3FB9] =	sst s10  }
0x38: {  	s10 =	sld [smem:$0x3FBA]  }
0x39: {  	_ = 	snop;
	(pc) =	sbr.ind lr, $3  }
0x3a: {  	_ = 	snop  }
0x3b: {  	_ = 	snop  }
0x3c: {  	p2 =	seq.s32 s10, $0x1;
	s10 =	sld [smem:$0x3FB9]  }
0x3d: {  	_ =	shalt  }
0x3e: {  	_ =	shalt  }
0x3f: {  	_ =	shalt  }
0x40: {  	_ =	shalt  }
0x41: {  	_ =	shalt  }
0x42: {  	_ =	shalt  }
0x43: {  	_ =	shalt  }
0x44: {  	_ =	shalt  }
0x45: {  	_ =	shalt  }
0x46: {  	_ =	shalt  }
0x47: {  	_ =	shalt  }
0x48: {  	_ =	shalt  }
0x49: {  	_ =	shalt  }
0x4a: {  	_ =	shalt  }
0x4b: {  	_ =	shalt  }
0x4c: {  	_ =	shalt  }
0x4d: {  	_ =	shalt  }
0x4e: {  	_ =	shalt  }
0x4f: {  	_ =	shalt  }
0x50: {  	_ =	shalt  }
0x51: {  	_ =	shalt  }
0x52: {  	_ =	shalt  }
0x53: {  	_ =	shalt  }
0x54: {  	_ =	shalt  }
0x55: {  	_ =	shalt  }
0x56: {  	_ =	shalt  }
0x57: {  	_ =	shalt  }
0x58: {  	_ =	shalt  }
0x59: {  	_ =	shalt  }
0x5a: {  	_ =	shalt  }
0x5b: {  	_ =	shalt  }
0x5c: {  	_ =	shalt  }
0x5d: {  	_ =	shalt  }
0x5e: {  	_ =	shalt  }
0x5f: {  	_ =	shalt  }
0x60: {  	_ =	shalt  }
0x61: {  	_ =	shalt  }
0x62: {  	_ =	shalt  }
0x63: {  	_ =	shalt  }
0x64: {  	_ =	shalt  }
0x65: {  	_ =	shalt  }
0x66: {  	_ =	shalt  }
0x67: {  	_ =	shalt  }
0x68: {  	_ =	shalt  }
0x69: {  	_ =	shalt  }
0x6a: {  	_ =	shalt  }
0x6b: {  	_ =	shalt  }
0x6c: {  	_ =	shalt  }
0x6d: {  	_ =	shalt  }
0x6e: {  	_ =	shalt  }
0x6f: {  	_ =	shalt  }
0x70: {  	_ =	shalt  }
0x71: {  	_ =	shalt  }
0x72: {  	_ =	shalt  }
0x73: {  	_ =	shalt  }
0x74: {  	_ =	shalt  }
0x75: {  	_ =	shalt  }
0x76: {  	_ =	shalt  }
0x77: {  	_ =	shalt  }
0x78: {  	_ =	shalt  }
0x79: {  	_ =	shalt  }
0x7a: {  	_ =	shalt  }
0x7b: {  	_ =	shalt  }
0x7c: {  	_ =	shalt  }
0x7d: {  	_ =	shalt  }
0x7e: {  	_ =	shalt  }
0x7f: {  	_ =	shalt  }
0x80: {  	_ =	shalt  }
0x81: {  	_ =	shalt  }
0x82: {  	_ =	shalt  }
0x83: {  	_ =	shalt  }
0x84: {  	_ =	shalt  }
0x85: {  	_ =	shalt  }
0x86: {  	_ =	shalt  }
0x87: {  	_ =	shalt  }
.Lfunc_end0:
.L_simem_size_0:
called_computation_lowered:
.L_overlay_start_0:
0x88: {  	s2 =	sld [smem:$0x3FD9]  }
0x89: {  	s3 =	sld [smem:$0x3FFE];
	_ =	sdelay $0x1  }
0x8a: {  	s1 =	srdreg.scid  }
0x8b: {  	s0 =	sand.u32 $0x1, s1  }
0x8c: {  	s14 =	sshll.u32 s0, $0xA;
	s2 =	sadd.s32 s3, s2  }
0x8d: {  	s2 =	sadd.s32 s2, s14  }
0x8e: {  	[smem:$0x3FC5] =	sst s2  }
0x8f: {  	_ = 	snop  }
0x90: {  	s2 =	sld [smem:$0x3FD0];
	_ =	sdelay $0x2  }
0x91: {  	s15 =	simm.s32 $0xA;
	s4 =	simm.s32 $0x10  }
0x92: {  	[smem:s4], [sflag:s15] =	dma.local [hbm:s2], $0x1  }
0x93: {  	_ =	swait.eq [sflag:s15], $0x1  }
0x94: {  	s16 =	sld [smem:$0x10]  }
0x95: {  	s17 =	sld [smem:$0x11]  }
0x96: {  	s5 =	sld [smem:$0x12]  }
0x97: {  	s6 =	sld [smem:$0x13];
	[sflag:s15] =	ssyncset.done $0x0  }
0x98: {  	s7 =	sld [smem:$0x14];
	[sflag:s15] =	ssyncadd.s32 $0xFFFFFFFF  }
0x99: {  	s18 =	sld [smem:$0x15];
	(tm) =	ssettm $0x1  }
0x9a: {  	s8 =	sld [smem:$0x3FFB];
	_ =	sdelay $0x3  }
0x9b: {  	_ =	strace s8  }
0x9c: {  	s8 =	sld [smem:$0x3FFC];
	_ =	sdelay $0x3  }
0x9d: {  	_ =	strace s8  }
0x9e: {  	s8 =	sld [smem:$0x3FFD];
	_ =	sdelay $0x3  }
0x9f: {  	_ =	strace s8  }
0xa0: {  	_ =	strace $0x8FFFFFFF  }
0xa1: {  	s19 =	sld [smem:$0x3FDB];
	_ =	sdelay $0x1  }
0xa2: {  	s9 =	simm.s32 $_scs_section_size  }
0xa3: {  	s10 =	simm.s32 $_size__tile_overlayer_lowered;
	s11 =	simm.s32 $_tile_overlayer_lowered  }
0xa4: {  	s22 =	simm.s32 $0x1BFF;
	s21 =	sshll.u32 s11, $0x1;
	s8 =	sadd.s32 s9, s19  }
0xa5: {  	s12 =	simm.s32 $0x0;
	s20 =	sshll.u32 s10, $0x1;
	s10 =	sadd.s32 s21, s8  }
0xa6: {  	[timem:s12], [sflag:s22] =	dma.local [hbm:s10], s20  }
0xa7: {  	_ =	swait.ge [sflag:s22], s20  }
0xa8: {  	s9 =	ssub.s32 $0x0, s20;
	[sflag:s22] =	ssyncset.done $0x0  }
0xa9: {  	[sflag:s22] =	ssyncadd.s32 s9;
	_ =	sdelay $0x1  }
0xaa: {  	s23 =	simm.s32 $0x1B8B  }
0xab: {  	_ =	swait.ge [sflag:s23], $0x1  }
0xac: {  	[sflag:s23] =	ssyncset.done $0x0  }
0xad: {  	s25 =	simm.s32 $0x1B8E;
	s24 =	sld [smem:$0x3FFE];
	[sflag:s23] =	ssyncadd.s32 $0xFFFFFFFF  }
0xae: {  	s26 =	simm.s32 $execute0_lowered;
	[smem:$0x3FD2] =	sst s25  }
0xaf: {  	s10 =	sshll.u32 s26, $0x1;
	_ =	strace $0x80000046;
	[dreg:$0x1] =	wrdreg $0xFFFFFFFF  }
0xb0: {  	s28 =	simm.s32 $_size_execute0_lowered;
	s8 =	sadd.s32 s8, s10;
	[dreg:$0x0] =	wrdreg $0x0  }
0xb1: {  	s10 =	sshll.u32 s28, $0x1;
	[dreg:$0x2] =	wrdreg s8  }
0xb2: {  	[dreg:$0x3] =	wrdreg s10  }
0xb3: {  	[dreg:$0x4] =	wrdreg $0xC0  }
0xb4: {  	_ =	task [dreg:s12], $0x5FFFF  }
0xb5: {  	[dreg:$0x1] =	wrdreg $0xFFFFFFFF  }
0xb6: {  	[dreg:$0x0] =	wrdreg $0x60  }
0xb7: {  	[dreg:$0x2] =	wrdreg s18  }
0xb8: {  	[dreg:$0x3] =	wrdreg s7  }
0xb9: {  	[dreg:$0x4] =	wrdreg s6  }
0xba: {  	[dreg:$0x5] =	wrdreg s5  }
0xbb: {  	[dreg:$0x6] =	wrdreg s17  }
0xbc: {  	[dreg:$0x7] =	wrdreg s16  }
0xbd: {  	[dreg:$0x8] =	wrdreg s24  }
0xbe: {  	[dreg:$0x9] =	wrdreg $0x9  }
0xbf: {  	_ =	task.clear_ibuf [dreg:s12], $0xAFFFF;
	_ =	strace $0x90000046  }
0xc0: {  	s29 =	simm.s32 $0x9;
	_ =	strace $0x80000048  }
0xc1: {  	_ =	swait.ge [sflag:s29], $0x1  }
0xc2: {  	[sflag:s29] =	ssyncadd.s32 $0xFFFFFFFF  }
0xc3: {  	_ =	strace $0x90000048  }
0xc4: {  	_ =	sfence  }
0xc5: {  	s30 =	sld [smem:$0x0];
	_ =	sdelay $0x2  }
0xc6: {  	s31 =	sshll.u32 s1, $0xD;
	s1 =	sshrl.u32 s1, $0x2  }
0xc7: {  	s3 =	sand.u32 $0x4000, s31;
	s1 =	sadd.s32 s1, s30  }
0xc8: {  	s0 =	sor.u32 s3, s0;
	s1 =	sshll.u32 s1, $0x11  }
0xc9: {  	s0 =	sor.u32 s1, s0  }
0xca: {  	s0 =	sadd.s32 $0x8F2B, s0  }
0xcb: {  	[sflag:s0] =	ssyncadd.remote.s32 $0x1  }
0xcc: {  	_ =	sfence.sel $0xFFFF  }
0xcd: {  	[dreg:$0x0] =	wrdreg $0xFFFFFFFF;
	(pc) =	sbr.abs _section_cstart, $3  }
0xce: {  	[dreg:$0x1] =	wrdreg $0xFFFFFFFF  }
0xcf: {  	_ =	task.clear_ibuf [dreg:s12], $0x2FFFF;
	_ =	strace $0x9FFFFFFF  }
0xd0: {  	(tm) =	ssettm $0x7FFFFFFF  }
0xd1: {  	_ =	shalt  }
tec
execute0_lowered:
.L_overlay_start_1:
0x0: {  	(tag) =	ssettag $0x1  }
0x1: {  	s0 =	rddreg [dreg:$0x3]  }
0x2: {  	s1 =	rddreg [dreg:$0x4]  }
0x3: {  	s2 =	rddreg [dreg:$0x5]  }
0x4: {  	s3 =	rddreg [dreg:$0x6];
	s4 =	srdreg.scid;
	s5 =	simm.s32 $0x0  }
0x5: {  	s7 =	stileid.u32;
	s18 =	simm.s32 $0x1;
	s19 =	simm.s32 $0x2710  }
0x6: {  	s20 =	simm.s32 $0x4E20;
	s4 =	sand.u32 $0x1, s4;
	s7 =	sshll.u32 s7, $0x1  }
0x7: {  	[smem:$0x7FF] =	sst s5;
	s6 =	ssub.s32 $0x2, s4;
	s4 =	sor.u32 s4, s7  }
0x8: {  	_ =	strace $0x80000047;
	s8 =	sshrl.u32 s6, $0x1;
	s9 =	sshll.u32 s4, $0x5  }
0x9: {  	s4 =	sshll.u32 s4, $0x8;
	s17 =	ssub.s32 s6, s8;
	s6 =	sadd.s32 s0, s9  }
0xa: {  	s7 =	sadd.s32 s1, s9;
	s8 =	sadd.s32 s3, s4;
	s9 =	sadd.s32 s2, s9  }
0xb: {  	s4 =	simm.s32 $0x0;
	s10 =	sadd.s32 $0x6000, s8;
	s11 =	sadd.s32 $0x4000, s8  }
0xc: {  	s12 =	sadd.s32 $0x2000, s8;
	s13 =	sadd.s32 $0xA000, s8;
	s14 =	sadd.s32 $0x8000, s8  }
0xd: {  	v3 =	vlaneseq.u32;
	s15 =	sadd.s32 $0xC000, s8;
	s16 =	sadd.s32 $0xE000, s8;
	s17 =	smax.u32 s17, $0x1  }
.LBB2_1:
0xe: {  	s0 =	rddreg [dreg:$0x0]  }
0xf: {  	[tilespmem:s5], [sflag:$0x1] =	stream.linear.gather [hbm4b:s0+s5], $0x2710, $0x38;
	[tilespmem:$0xB830] =	vst v63  }
0x10: {  	_ =	swait.ge [sflag:s18], $0x2710  }
0x11: {  	[sflag:s18] =	ssyncset.done $0x0  }
0x12: {  	[sflag:s18] =	ssyncadd.s32 $0xFFFFD8F0  }
0x13: {  	s22 =	rddreg [dreg:$0x1]  }
0x14: {  	[tilespmem:s19], [sflag:$0x1] =	stream.linear.gather [hbm4b:s22+s5], $0x2710, $0x38;
	[tilespmem:$0xB830] =	vst v63  }
0x15: {  	_ =	swait.ge [sflag:s18], $0x2710  }
0x16: {  	[sflag:s18] =	ssyncset.done $0x0  }
0x17: {  	[sflag:s18] =	ssyncadd.s32 $0xFFFFD8F0  }
0x18: {  	s23 =	rddreg [dreg:$0x2]  }
0x19: {  	[tilespmem:s20], [sflag:$0x1] =	stream.linear.gather [hbm4b:s23+s5], $0x2710, $0x38;
	[tilespmem:$0xB830] =	vst v63  }
0x1a: {  	_ =	swait.ge [sflag:s18], $0x2710  }
0x1b: {  	[sflag:s18] =	ssyncset.done $0x0  }
0x1c: {  	s24 =	simm.s32 $0x7530;
	[sflag:s18] =	ssyncadd.s32 $0xFFFFD8F0  }
0x1d: {  	[tilespmem:s24], [sflag:$0x1] =	stream.linear.gather [hbm4b:s6+s5], $0x100, $0x38;
	[tilespmem:$0xB830] =	vst v63  }
0x1e: {  	_ =	swait.ge [sflag:s18], $0x100  }
0x1f: {  	[sflag:s18] =	ssyncset.done $0x0  }
0x20: {  	s25 =	simm.s32 $0x7630;
	[sflag:s18] =	ssyncadd.s32 $0xFFFFFF00  }
0x21: {  	[tilespmem:s25], [sflag:$0x1] =	stream.linear.gather [hbm4b:s7+s5], $0x100, $0x38;
	[tilespmem:$0xB830] =	vst v63  }
0x22: {  	_ =	swait.ge [sflag:s18], $0x100  }
0x23: {  	[sflag:s18] =	ssyncset.done $0x0  }
0x24: {  	s26 =	simm.s32 $0x7730;
	[sflag:s18] =	ssyncadd.s32 $0xFFFFFF00  }
0x25: {  	[tilespmem:s26], [sflag:$0x1] =	stream.linear.gather [hbm4b:s9+s5], $0x100, $0x38;
	[tilespmem:$0xB830] =	vst v63  }
0x26: {  	_ =	swait.ge [sflag:s18], $0x100  }
0x27: {  	[sflag:s18] =	ssyncset.done $0x0  }
0x28: {  	s28 =	simm.s32 $0x7830;
	[sflag:s18] =	ssyncadd.s32 $0xFFFFFF00  }
0x29: {  	[tilespmem:s28], [sflag:$0x1] =	stream.linear.gather [hbm4b:s10+s5], $0x800, $0x38;
	[tilespmem:$0xB830] =	vst v63  }
0x2a: {  	_ =	swait.ge [sflag:s18], $0x800  }
0x2b: {  	[sflag:s18] =	ssyncset.done $0x0  }
0x2c: {  	s29 =	simm.s32 $0x8030;
	[sflag:s18] =	ssyncadd.s32 $0xFFFFF800  }
0x2d: {  	[tilespmem:s29], [sflag:$0x1] =	stream.linear.gather [hbm4b:s11+s5], $0x800, $0x38;
	[tilespmem:$0xB830] =	vst v63  }
0x2e: {  	_ =	swait.ge [sflag:s18], $0x800  }
0x2f: {  	[sflag:s18] =	ssyncset.done $0x0  }
0x30: {  	s30 =	simm.s32 $0x8830;
	[sflag:s18] =	ssyncadd.s32 $0xFFFFF800  }
0x31: {  	[tilespmem:s30], [sflag:$0x1] =	stream.linear.gather [hbm4b:s12+s5], $0x800, $0x38;
	[tilespmem:$0xB830] =	vst v63  }
0x32: {  	_ =	swait.ge [sflag:s18], $0x800  }
0x33: {  	[sflag:s18] =	ssyncset.done $0x0  }
0x34: {  	s31 =	simm.s32 $0x9030;
	[sflag:s18] =	ssyncadd.s32 $0xFFFFF800  }
0x35: {  	[tilespmem:s31], [sflag:$0x1] =	stream.linear.gather [hbm4b:s8+s5], $0x800, $0x38;
	[tilespmem:$0xB830] =	vst v63  }
0x36: {  	_ =	swait.ge [sflag:s18], $0x800  }
0x37: {  	[sflag:s18] =	ssyncset.done $0x0  }
0x38: {  	s0 =	simm.s32 $0x0;
	[sflag:s18] =	ssyncadd.s32 $0xFFFFF800  }
.LBB2_2:
0x39: {  	s1 =	sshll.u32 s0, $0x4  }
0x3a: {  	v1 =	vld [tilespmem:s1+$0x7530]  }
0x3b: {  	v2 =	vld [tilespmem:s1+$0x7630]  }
0x3c: {  	s2 =	sshll.u32 s0, $0x7;
	v22 =	vld [tilespmem:s1+$0x7730]  }
0x3d: {  	v19 =	vld [tilespmem:s2+$0x7830]  }
0x3e: {  	v5 =	vld [tilespmem:s2+$0x7850]  }
0x3f: {  	v20 =	vld [tilespmem:s2+$0x7880]  }
0x40: {  	v7 =	vld [tilespmem:s2+$0x7890]  }
0x41: {  	v21 =	vld [tilespmem:s2+$0x78A0]  }
0x42: {  	v9 =	vld [tilespmem:s2+$0x8030]  }
0x43: {  	v10 =	vld [tilespmem:s2+$0x8040]  }
0x44: {  	v11 =	vld [tilespmem:s2+$0x8050]  }
0x45: {  	v12 =	vld [tilespmem:s2+$0x8060]  }
0x46: {  	v13 =	vld [tilespmem:s2+$0x8070]  }
0x47: {  	v14 =	vld [tilespmem:s2+$0x8080]  }
0x48: {  	s23 =	simm.s32 $0x2710;
	v15 =	vld [tilespmem:s2+$0x8090]  }
0x49: {  	s3 =	simm.s32 $0x0;
	v25 =	vld [tilespmem:s23+$0x0]  }
0x4a: {  	v32 =	vld [tilespmem:s3+$0x0]  }
0x4b: {  	v16 =	vld [tilespmem:s2+$0x80A0]  }
0x4c: {  	s24 =	simm.s32 $0x4E20;
	v17 =	vld [tilespmem:s2+$0x8840]  }
0x4d: {  	v33 =	vld [tilespmem:s24+$0x0];
	v53 =	vor.u32 s3, v3  }
0x4e: {  	v18 =	vld [tilespmem:s2+$0x8860];
	v59 =	vcvt.s32.f32 v53  }
0x4f: {  	v61 =	vld [tilespmem:s2+$0x8870];
	v31 =	vmul.f32 v25, v12;
	v30 =	vmul.f32 v25, v15  }
0x50: {  	v62 =	vld [tilespmem:s2+$0x8880];
	v34 =	vmul.f32 v25, v9;
	v28 =	vmul.f32 v32, v5  }
0x51: {  	v63 =	vld [tilespmem:s2+$0x8890];
	v36 =	vmul.f32 v25, v10;
	v27 =	vmul.f32 v25, v16  }
0x52: {  	v0 =	vld [tilespmem:s2+$0x88A0];
	v29 =	vmul.f32 v25, v11;
	v35 =	vmul.f32 v25, v14  }
0x53: {  	v56 =	vld [tilespmem:s2+$0x7860];
	v37 =	vmul.f32 v33, v17;
	v39 =	vmul.f32 v25, v13  }
0x54: {  	v24 =	vld [tilespmem:s2+$0x7870];
	v40 =	vmul.f32 v32, v7;
	v41 =	vmul.f32 v33, v18  }
0x55: {  	v42 =	vmul.f32 v32, v21;
	v43 =	vmul.f32 v32, v19  }
0x56: {  	v4 =	vld [tilespmem:s2+$0x7840];
	v26 =	vsub.f32 v33, v22;
	v45 =	vmul.f32 v33, v61;
	v46 =	vmul.f32 v33, v62  }
0x57: {  	v44 =	vsub.f32 v25, v2;
	v48 =	vmul.f32 v33, v63;
	v50 =	vmul.f32 v32, v20  }
0x58: {  	v47 =	vsub.f32 v32, v1;
	v51 =	vmul.f32 v33, v0;
	v54 =	vmul.f32 v32, v56  }
0x59: {  	v3 =	vld [tilespmem:s2+$0x8830];
	v55 =	vmul.f32 v32, v24;
	v42 =	vadd.f32 v27, v42;
	v52 =	vadd.f32 v29, v28  }
0x5a: {  	v6 =	vld [tilespmem:s2+$0x90A0];
	v47 =	vmul.f32 v47, v47;
	v40 =	vadd.f32 v30, v40;
	v50 =	vadd.f32 v35, v50  }
0x5b: {  	v8 =	vld [tilespmem:s2+$0x8850];
	v60 =	vadd.f32 v31, v54;
	v54 =	vmul.f32 v32, v4;
	v57 =	vadd.f32 v39, v55  }
0x5c: {  	v25 =	vld [tilespmem:s2+$0x9090];
	v34 =	vadd.f32 v34, v43;
	v44 =	vmul.f32 v44, v44;
	v42 =	vadd.f32 v51, v42  }
0x5d: {  	v49 =	vmul.f32 v26, v26;
	v27 =	vld [tilespmem:s2+$0x9060];
	v58 =	vadd.f32 v48, v40;
	v41 =	vadd.f32 v41, v60  }
0x5e: {  	v60 =	vmul.f32 v33, v3;
	v44 =	vadd.f32 v44, v47;
	v36 =	vadd.f32 v36, v54  }
0x5f: {  	v23 =	vld [tilespmem:s2+$0x9070];
	v50 =	vadd.f32 v46, v50;
	v35 =	vsub.f32 v42, v6;
	v42 =	vmul.f32 $1.100000000e+09, v59  }
0x60: {  	v30 =	vld [tilespmem:s2+$0x9030];
	v59 =	vmul.f32 v33, v8;
	v33 =	vadd.f32 v45, v57;
	v48 =	vadd.f32 v60, v34  }
0x61: {  	v39 =	vsub.f32 v58, v25;
	v44 =	vadd.f32 v49, v44  }
0x62: {  	v26 =	vld [tilespmem:s2+$0x9050];
	v36 =	vadd.f32 v37, v36;
	v41 =	vsub.f32 v41, v27  }
0x63: {  	v42 =	vadd.f32 $1.000000030e+16, v42;
	v40 =	vadd.f32 v59, v52  }
0x64: {  	v45 =	vmul.f32 v35, v35;
	v43 =	vsub.f32 v33, v23;
	vm1 =	vge.f32 v35, $0.0e+00  }
0x65: {  	v52 =	vsub.f32 v48, v30;
	v55 =	vmul.f32 v39, v39;
	v57 =	vmul.f32 $7.498000260e-01, v44  }
0x66: {  	v31 =	vmovc v27;
	v27 =	vld [tilespmem:s2+$0x9080];
	vm2 =	vge.f32 v39, $0.0e+00;
	v34 =	vmul.f32 v41, v41;
	vm3 =	vge.f32 v41, $0.0e+00  }
0x67: {  	v40 =	vsub.f32 v40, v26;
	v35 =	vmul.f32 v43, v43;
	vm0 =	vge.f32 v43, $0.0e+00  }
0x68: {  	vm5 =	vge.f32 v52, $0.0e+00;
	v59 =	vsub.f32 v44, v55;
	vm6 =	vge.f32 v55, v57  }
0x69: {  	s26 =	simm.s32 $0x10;
	[tilespmem:$0x1FFD0] =	vst v23;
	v23 =	vld [tilespmem:s2+$0x9040];
	v60 =	vmul.f32 v52, v52;
	vm10 =	vge.f32 v45, v57;
	vm2 =	vmand vm2, vm6  }
0x6a: {  	v47 =	vld [tilespmem:s26+$0x0];
	v49 =	vsub.f32 v44, v34;
	vm7 =	vge.f32 v34, v57;
	vm1 =	vmand vm1, vm10  }
0x6b: {  	vm4 =	vge.f32 v40, $0.0e+00;
	v40 =	vmul.f32 v40, v40;
	v54 =	vsub.f32 v50, v27  }
0x6c: {  	v46 =	vsub.f32 v44, v35;
	v48 =	vsel vm2, v59, v42;
	vm2 =	vge.f32 v35, v57  }
0x6d: {  	vm9 =	vge.f32 v60, v57;
	v34 =	vsub.f32 v44, v60;
	vm3 =	vmand vm3, vm7  }
0x6e: {  	s25 =	simm.s32 $0x2720;
	v60 =	vsub.f32 v44, v45;
	v36 =	vsub.f32 v36, v23;
	vm5 =	vmand vm5, vm9  }
0x6f: {  	v35 =	vld [tilespmem:s25+$0x0];
	v59 =	vsel vm3, v49, v42;
	v49 =	vsub.f32 v47, v1;
	vm0 =	vmand vm0, vm2  }
0x70: {  	v58 =	vmul.f32 v54, v54;
	v33 =	vsub.f32 v44, v40;
	vm9 =	vge.f32 v40, v57  }
0x71: {  	[tilespmem:$0x1FEB0] =	vst v12;
	v41 =	vsel vm5, v34, v42;
	v32 =	vmul.f32 v36, v36;
	vm6 =	vge.f32 v36, $0.0e+00  }
0x72: {  	(xrf1) =	vsort.dscd.msk.f32 $0xffff, v48, v53;
	vm4 =	vmand vm4, vm9;
	v49 =	vmul.f32 v49, v49;
	vm8 =	vge.f32 v58, v57  }
0x73: {  	(xrf1) =	vsort.dscd.msk.f32 $0xffff, v41, v53;
	v39 =	vsub.f32 v44, v58;
	v36 =	vsel vm4, v33, v42;
	vm4 =	vge.f32 v54, $0.0e+00  }
0x74: {  	[tilespmem:$0x1FEE0] =	vst v9;
	vm11 =	vge.f32 v32, v57;
	v37 =	vmul.f32 v35, v12;
	v45 =	vmul.f32 v35, v15  }
0x75: {  	[tilespmem:$0x1FF10] =	vst v10;
	v57 =	vsub.f32 v44, v32;
	v48 =	vmul.f32 v35, v9;
	v9 =	vmul.f32 v47, v5  }
0x76: {  	s3 =	simm.s32 $0x4E30;
	(xrf1) =	vsort.dscd.msk.f32 $0xffff, v36, v53;
	vm3 =	vmand vm4, vm8;
	v51 =	vmul.f32 v35, v10;
	v10 =	vmul.f32 v35, v16  }
0x77: {  	[tilespmem:$0x1FF30] =	vst v11;
	v41 =	vld [tilespmem:s3+$0x0];
	v44 =	vsub.f32 v35, v2;
	v11 =	vmul.f32 v35, v11;
	v12 =	vmul.f32 v35, v14  }
0x78: {  	v36 =	vsel vm1, v60, v42;
	v43 =	vmul.f32 v35, v13;
	v60 =	vmul.f32 v47, v19  }
0x79: {  	[tilespmem:$0x1FEC0] =	vst v2;
	v2 =	vmul.f32 v47, v20;
	vm5 =	vmand vm6, vm11;
	v39 =	vsel vm3, v39, v42  }
0x7a: {  	[tilespmem:$0x1FEF0] =	vst v1;
	v58 =	vsel vm5, v57, v42;
	v57 =	vmul.f32 v47, v7;
	v42 =	vsel vm0, v46, v42  }
0x7b: {  	[tilespmem:$0x1FF80] =	vst v7;
	v40 =	vadd.f32 v11, v9;
	v7 =	vmul.f32 v47, v24;
	v52 =	vadd.f32 v12, v2  }
0x7c: {  	[tilespmem:$0x1FF00] =	vst v5;
	v48 =	vadd.f32 v48, v60;
	v44 =	vmul.f32 v44, v44;
	v1 =	vmul.f32 v41, v17  }
0x7d: {  	[tilespmem:$0x1FFC0] =	vst v61;
	(xrf1) =	vsort.dscd.msk.f32 $0xffff, v58, v53;
	v58 =	vmul.f32 v47, v21;
	v61 =	vmul.f32 v41, v61  }
0x7e: {  	[tilespmem:$0x1FF40] =	vst v14;
	v14 =	vsub.f32 v41, v22;
	v35 =	vmul.f32 v41, v63;
	v5 =	vmul.f32 v41, v0  }
0x7f: {  	[tilespmem:$0x1FF70] =	vst v13;
	v13 =	vmul.f32 v41, v3;
	(xrf1) =	vsort.dscd.msk.f32 $0xffff, v59, v53;
	v45 =	vadd.f32 v45, v57  }
0x80: {  	v2 =	vmul.f32 v41, v8;
	v43 =	vadd.f32 v43, v7;
	v44 =	vadd.f32 v44, v49  }
0x81: {  	v38 =	vimm.f32 $3.000000010e+38;
	v28 =	vmovc v63;
	v57 =	vld [tilespmem:$0x1FFD0];
	(xrf1) =	vsort.dscd.msk.f32 $0xffff, v39, v53;
	v63 =	vadd.f32 v10, v58;
	v10 =	vmul.f32 v47, v56  }
0x82: {  	v39 =	vmul.f32 v41, v18;
	v48 =	vadd.f32 v13, v48;
	v40 =	vadd.f32 v2, v40  }
0x83: {  	[tilespmem:$0x1FED0] =	vst v15;
	v55 =	vmul.f32 v14, v14;
	v45 =	vadd.f32 v35, v45;
	v37 =	vadd.f32 v37, v10  }
0x84: {  	[tilespmem:$0x1FFB0] =	vst v19;
	v47 =	vmul.f32 v47, v4;
	v43 =	vadd.f32 v61, v43;
	v50 =	vadd.f32 v5, v63  }
0x85: {  	[tilespmem:$0x1FFE0] =	vst v25;
	v25 =	vmovc v20;
	v20 =	vmovc v0;
	v14 =	vlaneseq.u32;
	v40 =	vsub.f32 v40, v26;
	v0 =	vadd.f32 v39, v37  }
0x86: {  	v19 =	vmovc v4;
	(xrf1) =	vsort.dscd.msk.f32 $0xffff, v42, v53;
	v42 =	vimm.s32 $0x0;
	v4 =	vsub.f32 v50, v6;
	v43 =	vsub.f32 v43, v57  }
0x87: {  	v50 =	vmul.f32 v40, v40;
	v15, v59, _ =	vpop (xrf1);
	(xrf1) =	vsort.dscd.msk.f32 $0xffff, v36, v53;
	v53 =	vmul.f32 v41, v62;
	v36 =	vor.u32 s26, v14  }
0x88: {  	[tilespmem:$0x1FF50] =	vst v22;
	vm0 =	vle.f32 v38, v15;
	vm4 =	vge.f32 v4, $0.0e+00;
	v39 =	vmul.f32 v4, v4  }
0x89: {  	v34 =	vmovc v6;
	v22 =	vmovc v3;
	v13 =	vsub.f32 v0, v31;
	vm6 =	vge.f32 v43, $0.0e+00;
	v9 =	vsel vm0, v42, v59  }
0x8a: {  	v43 =	vmul.f32 v43, v43;
	v4 =	vsub.f32 v48, v30;
	v48 =	vadd.f32 v55, v44;
	v11, v12, _ =	vpop (xrf1)  }
0x8b: {  	v46 =	vsel vm0, v38, v15;
	v15 =	vcvt.s32.f32 v36;
	vm0 =	vle.f32 v38, v11;
	v59, v63, _ =	vpop (xrf1)  }
0x8c: {  	v52 =	vadd.f32 v53, v52;
	v3 =	vsel vm0, v38, v11;
	v11 =	vadd.f32 v51, v47;
	v6, v5, _ =	vpop (xrf1)  }
0x8d: {  	v32 =	vmov v8;
	(xrf1) =	vsort.ascd.msk.f32 $0xffff, v46, v9;
	v10 =	vsel vm0, v42, v12;
	v51 =	vmul.f32 v13, v13;
	v8, v9, _ =	vpop (xrf1)  }
0x8e: {  	v7 =	vmul.f32 $1.100000000e+09, v15;
	v41 =	vadd.f32 v1, v11;
	(xrf1) =	vsort.ascd.msk.f32 $0xffff, v3, v10;
	vm0 =	vle.f32 v38, v8  }
0x8f: {  	[tilespmem:$0x1FFF0] =	vst v27;
	vm3 =	vle.f32 v38, v6;
	v14 =	vsel vm0, v42, v9;
	v15 =	vsel vm0, v38, v8  }
0x90: {  	vm5 =	vge.f32 v13, $0.0e+00;
	v46 =	vsel vm3, v38, v6;
	v58 =	vsel vm3, v42, v5;
	v6 =	vld [tilespmem:$0x1FFE0];
	(xrf1) =	vsort.ascd.msk.f32 $0xffff, v15, v14  }
0x91: {  	vm1 =	vle.f32 v38, v59;
	v37 =	vadd.f32 $1.000000030e+16, v7;
	v41 =	vsub.f32 v41, v23;
	v47, v12, _ =	vpop (xrf1);
	(xrf1) =	vsort.ascd.msk.f32 $0xffff, v46, v58  }
0x92: {  	v33 =	vmovc v62;
	v35 =	vmovc v31;
	v49 =	vsel vm1, v38, v59;
	v5 =	vsel vm1, v42, v63;
	vm1 =	vge.f32 v4, $0.0e+00;
	v9 =	vld [tilespmem:$0x1FFF0]  }
0x93: {  	v31 =	vmovc v57;
	vm2 =	vle.f32 v38, v47;
	v53 =	vmul.f32 v41, v41;
	v15 =	vmul.f32 v4, v4  }
0x94: {  	[tilespmem:$0x1FF20] =	vst v16;
	v60, v57, _ =	vpop (xrf1);
	v54 =	vsel vm2, v42, v12;
	v13 =	vsel vm2, v38, v47;
	v47 =	vsub.f32 v48, v43  }
0x95: {  	[tilespmem:$0x1FF60] =	vst v17;
	vm8 =	vle.f32 v38, v60;
	v55 =	vsub.f32 v48, v15;
	v62, v61, _ =	vpop (xrf1);
	v45 =	vsub.f32 v45, v6  }
0x96: {  	vm0 =	vge.f32 v40, $0.0e+00;
	(xrf1) =	vsort.ascd.msk.f32 $0xffff, v49, v5;
	v49 =	vsub.f32 v48, v51;
	vm3 =	vle.f32 v38, v62  }
0x97: {  	v10 =	vsub.f32 v52, v9;
	v52 =	vmul.f32 $7.498000260e-01, v48;
	(xrf1) =	vsort.ascd.msk.f32 $0xffff, v13, v54;
	v54 =	vsub.f32 v48, v50  }
0x98: {  	v29 =	vmovc v24;
	v7 =	vsel vm3, v38, v62;
	v8 =	vsel vm3, v42, v61;
	v11 =	vmul.f32 v45, v45  }
0x99: {  	[tilespmem:$0x1FFA0] =	vst v21;
	v27 =	vmovc v30;
	v24 =	vmovc v56;
	vm7 =	vge.f32 v45, $0.0e+00;
	v38 =	vsel vm8, v38, v60;
	vm3 =	vge.f32 v41, $0.0e+00  }
0x9a: {  	v21 =	vmovc v23;
	v30 =	vmovc v6;
	v62 =	vsel vm8, v42, v57;
	vm10 =	vge.f32 v10, $0.0e+00;
	v12 =	vmul.f32 v10, v10  }
0x9b: {  	v23 =	vmovc v9;
	vm11 =	vge.f32 v51, v52;
	v14 =	vsub.f32 v48, v11;
	vm2 =	vge.f32 v11, v52  }
0x9c: {  	s29 =	simm.s32 $0x20;
	[tilespmem:$0x1FF90] =	vst v18;
	vm12 =	vge.f32 v43, v52;
	vm8 =	vge.f32 v39, v52;
	v45, v43, _ =	vpop (xrf1);
	vm2 =	vmand vm7, vm2  }
0x9d: {  	s30 =	simm.s32 $0x20;
	s31 =	simm.s32 $0x2730;
	s28 =	sor.u32 $0x10, s2;
	vm9 =	vge.f32 v15, v52;
	(xrf1) =	vsort.ascd.msk.f32 $0xffff, v7, v8;
	vm4 =	vmand vm4, vm8;
	v63 =	vsel vm2, v14, v37;
	v46, v41, _ =	vpop (xrf1)  }
0x9e: {  	s24 =	sor.u32 $0x40, s2;
	s23 =	sor.u32 $0x50, s2;
	s22 =	sor.u32 $0x60, s2;
	vm8 =	vmand vm5, vm11;
	vm5 =	vmand vm6, vm12;
	vm7 =	vge.f32 v12, v52;
	(xrf1) =	vsort.dscd.msk.f32 $0xffff, v63, v36;
	v40, v42, _ =	vpop (xrf1)  }
0x9f: {  	s21 =	sor.u32 $0x70, s2;
	s25 =	sor.u32 $0x30, s2;
	s26 =	sor.u32 $0x20, s2;
	v51 =	vsub.f32 v48, v12;
	vm2 =	vmand vm10, vm7;
	vm7 =	vge.f32 v53, v52;
	(xrf1) =	vsort.ascd.msk.f32 $0xffff, v38, v62;
	v44, v38, _ =	vpop (xrf1)  }
.LBB2_3:
0xa0: {  	v56 =	vld [tilespmem:s31+$0x0]  }
0xa1: {  	v57 =	vld [tilespmem:s30+$0x0]  }
0xa2: {  	v8 =	vld [tilespmem:$0x1FEC0]  }
0xa3: {  	v9 =	vld [tilespmem:$0x1FEB0]  }
0xa4: {  	v10 =	vld [tilespmem:$0x1FED0]  }
0xa5: {  	v11 =	vld [tilespmem:$0x1FEF0]  }
0xa6: {  	v12 =	vld [tilespmem:$0x1FEE0]  }
0xa7: {  	v13 =	vld [tilespmem:$0x1FF00]  }
0xa8: {  	v14 =	vld [tilespmem:$0x1FF10]  }
0xa9: {  	v15 =	vld [tilespmem:$0x1FF20]  }
0xaa: {  	vm1 =	vmand vm1, vm9;
	v53 =	vsub.f32 v48, v53;
	v2 =	vld [tilespmem:$0x1FF30]  }
0xab: {  	vm6 =	vge.f32 v50, v52;
	v39 =	vsub.f32 v48, v39;
	v3 =	vld [tilespmem:$0x1FF40];
	v0 =	vsel vm1, v55, v37  }
0xac: {  	s3 =	sadd.s32 $0x10, s3;
	v5 =	vld [tilespmem:$0x1FF60];
	vm1 =	vmand vm3, vm7;
	vm0 =	vmand vm0, vm6;
	v7 =	vsel vm8, v49, v37  }
0xad: {  	v48 =	vld [tilespmem:s3+$0x0];
	v53 =	vsel vm1, v53, v37;
	v54 =	vsel vm0, v54, v37;
	(xrf1) =	vsort.dscd.msk.f32 $0xffff, v0, v36  }
0xae: {  	v6 =	vld [tilespmem:$0x1FF70];
	v39 =	vsel vm4, v39, v37;
	v58 =	vmul.f32 v56, v10;
	v60 =	vmul.f32 v56, v12  }
0xaf: {  	v61 =	vmul.f32 v57, v13;
	v63 =	vmul.f32 v56, v14;
	v13 =	vsel vm2, v51, v37;
	v51 =	vld [tilespmem:$0x1FF80]  }
0xb0: {  	v59 =	vsub.f32 v57, v11;
	v0 =	vmul.f32 v56, v15;
	v2 =	vmul.f32 v56, v2;
	v10 =	vld [tilespmem:$0x1FFB0]  }
0xb1: {  	v3 =	vmul.f32 v56, v3;
	v37 =	vsel vm5, v47, v37;
	v50, v52, _ =	vpop (xrf1);
	(xrf1) =	vsort.dscd.msk.f32 $0xffff, v54, v36  }
0xb2: {  	v4 =	vld [tilespmem:$0x1FF50];
	v5 =	vmul.f32 v48, v5;
	v14 =	vmul.f32 v48, v28;
	(xrf1) =	vsort.dscd.msk.f32 $0xffff, v53, v36;
	v49, v62, _ =	vpop (xrf1)  }
0xb3: {  	v18 =	vmul.f32 v48, v20;
	v54 =	vmul.f32 v56, v9;
	v53 =	vsub.f32 v56, v8;
	v8 =	vld [tilespmem:$0x1FFA0];
	v55, v1, _ =	vpop (xrf1)  }
0xb4: {  	v56 =	vmul.f32 v56, v6;
	v6 =	vmul.f32 v57, v51;
	(xrf1) =	vsort.dscd.msk.f32 $0xffff, v7, v36;
	v47, v9, _ =	vpop (xrf1)  }
0xb5: {  	v10 =	vmul.f32 v57, v10;
	v7 =	vld [tilespmem:$0x1FF90];
	(xrf1) =	vsort.dscd.msk.f32 $0xffff, v13, v36;
	vm0 =	vle.f32 v45, v47  }
0xb6: {  	v11 =	vld [tilespmem:$0x1FFC0];
	v12, v51, _ =	vpop (xrf1);
	(xrf1) =	vsort.dscd.msk.f32 $0xffff, v37, v36;
	v37 =	vmul.f32 v57, v29;
	v45 =	vsel vm0, v45, v47  }
0xb7: {  	v47 =	vmul.f32 v57, v25;
	v9 =	vsel vm0, v43, v9;
	v43 =	vmul.f32 v57, v19  }
0xb8: {  	v4 =	vsub.f32 v48, v4;
	v8 =	vmul.f32 v57, v8;
	v57 =	vmul.f32 v57, v24  }
0xb9: {  	v59 =	vmul.f32 v59, v59;
	v2 =	vadd.f32 v2, v61;
	v6 =	vadd.f32 v58, v6  }
0xba: {  	v4 =	vmul.f32 v4, v4;
	v7 =	vmul.f32 v48, v7;
	v54 =	vadd.f32 v54, v57  }
0xbb: {  	v11 =	vmul.f32 v48, v11;
	v10 =	vadd.f32 v60, v10;
	v6 =	vadd.f32 v14, v6  }
0xbc: {  	v13 =	vmul.f32 v48, v33;
	v15, v16, _ =	vpop (xrf1);
	v0 =	vadd.f32 v0, v8;
	v7 =	vadd.f32 v7, v54  }
0xbd: {  	v3 =	vadd.f32 v3, v47;
	vm0 =	vle.f32 v46, v15;
	v57 =	vadd.f32 v63, v43  }
0xbe: {  	v15 =	vsel vm0, v46, v15;
	v0 =	vadd.f32 v18, v0;
	v7 =	vsub.f32 v7, v35  }
0xbf: {  	s1 =	smov.u32 s29;
	v3 =	vadd.f32 v13, v3;
	v18 =	vlaneseq.u32;
	v54 =	vsel vm0, v41, v16;
	v58, v61, _ =	vpop (xrf1)  }
0xc0: {  	v0 =	vsub.f32 v0, v34;
	v16 =	vmul.f32 v7, v7;
	v8, v17, _ =	vpop (xrf1);
	(xrf1) =	vsort.dscd.msk.f32 $0xffff, v39, v36;
	v36 =	vor.u32 s1, v18  }
0xc1: {  	v18 =	vmul.f32 v48, v32;
	vm1 =	vle.f32 v50, v58;
	v39 =	vcvt.s32.f32 v36;
	(xrf1) =	vsort.ascd.msk.f32 $0xffff, v45, v9  }
0xc2: {  	v9 =	vmul.f32 v48, v22;
	v45 =	vadd.f32 v56, v37;
	v46, v47, _ =	vpop (xrf1);
	v48 =	vmul.f32 v53, v53  }
0xc3: {  	vm7 =	vle.f32 v44, v8;
	v58 =	vsel vm1, v50, v58;
	vm3 =	vle.f32 v40, v46  }
0xc4: {  	v8 =	vsel vm7, v44, v8;
	v2 =	vadd.f32 v18, v2;
	v38 =	vsel vm7, v38, v17  }
0xc5: {  	v14, v60, _ =	vpop (xrf1);
	v9 =	vadd.f32 v9, v10;
	v45 =	vadd.f32 v11, v45;
	v56 =	vsel vm3, v42, v47  }
0xc6: {  	vm5 =	vge.f32 v7, $0.0e+00;
	vm2 =	vle.f32 v49, v14;
	v18 =	vsel vm3, v40, v46;
	v40, v41, _ =	vpop (xrf1);
	(xrf1) =	vsort.ascd.msk.f32 $0xffff, v15, v54  }
0xc7: {  	v39 =	vmul.f32 $1.100000000e+09, v39;
	v2 =	vsub.f32 v2, v26;
	v7 =	vsel vm2, v62, v60;
	(xrf1) =	vsort.ascd.msk.f32 $0xffff, v18, v56  }
0xc8: {  	v60 =	vadd.f32 v48, v59;
	v62 =	vsel vm1, v52, v61;
	v56 =	vsub.f32 v3, v23  }
0xc9: {  	vm8 =	vle.f32 v12, v40;
	v37 =	vadd.f32 $1.000000030e+16, v39;
	v39 =	vmul.f32 v0, v0  }
0xca: {  	vm4 =	vge.f32 v0, $0.0e+00;
	v10 =	vsub.f32 v45, v31;
	(xrf1) =	vsort.ascd.msk.f32 $0xffff, v8, v38;
	v9 =	vsub.f32 v9, v27  }
0xcb: {  	v0 =	vadd.f32 v5, v57;
	v38 =	vsub.f32 v6, v30;
	v61 =	vsel vm8, v12, v40  }
0xcc: {  	vm0 =	vge.f32 v2, $0.0e+00;
	v50 =	vmul.f32 v2, v2;
	v48 =	vadd.f32 v4, v60  }
0xcd: {  	v60 =	vsel vm2, v49, v14;
	vm2 =	vge.f32 v56, $0.0e+00;
	v11 =	vmul.f32 v10, v10  }
0xce: {  	vm1 =	vge.f32 v9, $0.0e+00;
	v0 =	vsub.f32 v0, v21;
	v57 =	vmul.f32 v38, v38  }
0xcf: {  	vm7 =	vge.f32 v38, $0.0e+00;
	v52 =	vmul.f32 $7.498000260e-01, v48;
	v49 =	vsub.f32 v48, v16  }
0xd0: {  	v9 =	vmul.f32 v9, v9;
	v54 =	vsub.f32 v48, v50;
	v59 =	vsub.f32 v48, v57  }
0xd1: {  	v47 =	vsub.f32 v48, v11;
	v53 =	vmul.f32 v0, v0;
	vm10 =	vge.f32 v16, v52;
	v63, v17, _ =	vpop (xrf1)  }
0xd2: {  	vm9 =	vge.f32 v57, v52;
	vm11 =	vge.f32 v11, v52;
	vm3 =	vle.f32 v55, v63  }
0xd3: {  	p0 =	sne.s32 s29, $0x2700;
	vm7 =	vmand vm7, vm9;
	vm9 =	vge.f32 v9, v52;
	v45, v43, _ =	vpop (xrf1);
	(xrf1) =	vsort.ascd.msk.f32 $0xffff, v58, v62;
	v42 =	vsel vm3, v55, v63  }
.Ltmp0:
0xd4: {  	v58 =	vmul.f32 v56, v56;
	v62 =	vsel vm8, v51, v41;
	v1 =	vsel vm3, v1, v17;
	(pc) =	sbr.rel @p0 .LBB2_3-.Ltmp0, $4  }
0xd5: {  	vm6 =	vge.f32 v10, $0.0e+00;
	(xrf1) =	vsort.ascd.msk.f32 $0xffff, v60, v7;
	v63 =	vsel vm7, v59, v37;
	vm7 =	vge.f32 v53, v52  }
0xd6: {  	vm3 =	vge.f32 v0, $0.0e+00;
	v55 =	vsub.f32 v48, v9;
	(xrf1) =	vsort.ascd.msk.f32 $0xffff, v42, v1;
	vm8 =	vge.f32 v58, v52;
	v46, v41, _ =	vpop (xrf1)  }
0xd7: {  	v51 =	vsub.f32 v48, v58;
	vm2 =	vmand vm2, vm8;
	vm8 =	vge.f32 v39, v52;
	(xrf1) =	vsort.dscd.msk.f32 $0xffff, v63, v36;
	v40, v42, _ =	vpop (xrf1)  }
0xd8: {  	s29 =	sadd.s32 $0x10, s29;
	s30 =	sadd.s32 $0x10, s30;
	s31 =	sadd.s32 $0x10, s31;
	vm4 =	vmand vm4, vm8;
	vm8 =	vmand vm5, vm10;
	vm5 =	vmand vm6, vm11;
	v44, v38, _ =	vpop (xrf1);
	(xrf1) =	vsort.ascd.msk.f32 $0xffff, v61, v62  }
0xd9: {  	vm1 =	vmand vm1, vm9  }
0xda: {  	v0 =	vsel vm1, v55, v37  }
0xdb: {  	(xrf1) =	vsort.dscd.msk.f32 $0xffff, v0, v36;
	_ =	sdelay $0x3  }
0xdc: {  	vm6 =	vge.f32 v50, v52  }
0xdd: {  	vm0 =	vmand vm0, vm6;
	v0 =	vsub.f32 v48, v53  }
0xde: {  	vm7 =	vmand vm3, vm7;
	v1 =	vsel vm0, v54, v37  }
0xdf: {  	v0 =	vsel vm7, v0, v37  }
0xe0: {  	v2, v3, _ =	vpop (xrf1);
	(xrf1) =	vsort.dscd.msk.f32 $0xffff, v1, v36  }
0xe1: {  	v5 =	vsel vm8, v49, v37;
	v1, v4, _ =	vpop (xrf1);
	(xrf1) =	vsort.dscd.msk.f32 $0xffff, v0, v36  }
0xe2: {  	v0, v6, _ =	vpop (xrf1);
	(xrf1) =	vsort.dscd.msk.f32 $0xffff, v5, v36;
	v5 =	vsel vm2, v51, v37  }
0xe3: {  	v8, v9, _ =	vpop (xrf1);
	(xrf1) =	vsort.dscd.msk.f32 $0xffff, v5, v36;
	v5 =	vsel vm5, v47, v37  }
0xe4: {  	v7 =	vsub.f32 v48, v39  }
0xe5: {  	vm8 =	vle.f32 v45, v8;
	v10, v11, _ =	vpop (xrf1)  }
0xe6: {  	v7 =	vsel vm4, v7, v37;
	(xrf1) =	vsort.dscd.msk.f32 $0xffff, v5, v36;
	v8 =	vsel vm8, v45, v8;
	v5, v12, _ =	vpop (xrf1)  }
0xe7: {  	v9 =	vsel vm8, v43, v9;
	(xrf1) =	vsort.dscd.msk.f32 $0xffff, v7, v36;
	vm9 =	vle.f32 v46, v5  }
0xe8: {  	(xrf1) =	vsort.ascd.msk.f32 $0xffff, v8, v9;
	v5 =	vsel vm9, v46, v5;
	v57 =	vsel vm9, v41, v12  }
0xe9: {  	(xrf1) =	vsort.ascd.msk.f32 $0xffff, v5, v57;
	_ =	sdelay $0x6  }
0xea: {  	v5, v7, _ =	vpop (xrf1)  }
0xeb: {  	v8, v9, _ =	vpop (xrf1)  }
0xec: {  	v58, v13, _ =	vpop (xrf1)  }
0xed: {  	v14, v15, _ =	vpop (xrf1)  }
0xee: {  	v16, v17, _ =	vpop (xrf1)  }
0xef: {  	v18, v19, _ =	vpop (xrf1)  }
0xf0: {  	v20, v21, _ =	vpop (xrf1)  }
0xf1: {  	v20, v22, _ =	vpop (xrf1);
	_ =	sdelay $0x1  }
0xf2: {  	vm10 =	vle.f32 v40, v58  }
0xf3: {  	vm11 =	vle.f32 v44, v8;
	v13 =	vsel vm10, v42, v13;
	v12 =	vsel vm10, v40, v58;
	[tilespmem:s2+$0x9830] =	vst v22  }
0xf4: {  	v8 =	vsel vm11, v44, v8;
	v9 =	vsel vm11, v38, v9;
	(xrf1) =	vsort.ascd.msk.f32 $0xffff, v12, v13;
	v59 =	vld.idx.msk [tilespmem:v22+s5+$0x0], $0xffff  }
0xf5: {  	(xrf1) =	vsort.ascd.msk.f32 $0xffff, v8, v9;
	_ =	sdelay $0x3  }
0xf6: {  	[tilespmem:s2+$0xA030] =	vst v59  }
0xf7: {  	v60 =	vld.idx.msk [tilespmem:v22+s19+$0x0], $0xffff;
	_ =	sdelay $0x4  }
0xf8: {  	[tilespmem:s2+$0xA830] =	vst v60  }
0xf9: {  	v8 =	vld.idx.msk [tilespmem:v22+s20+$0x0], $0xffff;
	_ =	sdelay $0x1  }
0xfa: {  	v61, v62, _ =	vpop (xrf1)  }
0xfb: {  	v9, v63, _ =	vpop (xrf1);
	_ =	sdelay $0x1  }
0xfc: {  	[tilespmem:s2+$0xB030] =	vst v8  }
0xfd: {  	vm12 =	vle.f32 v2, v5;
	[tilespmem:s28+$0x9830] =	vst v63  }
0xfe: {  	v2 =	vsel vm12, v2, v5;
	v3 =	vsel vm12, v3, v7;
	v5 =	vld.idx.msk [tilespmem:v63+s5+$0x0], $0xffff  }
0xff: {  	(xrf1) =	vsort.ascd.msk.f32 $0xffff, v2, v3;
	_ =	sdelay $0x3  }
0x100: {  	[tilespmem:s28+$0xA030] =	vst v5  }
0x101: {  	v2 =	vld.idx.msk [tilespmem:v63+s19+$0x0], $0xffff;
	_ =	sdelay $0x4  }
0x102: {  	[tilespmem:s28+$0xA830] =	vst v2  }
0x103: {  	v2 =	vld.idx.msk [tilespmem:v63+s20+$0x0], $0xffff;
	_ =	sdelay $0x2  }
0x104: {  	v3, v5, _ =	vpop (xrf1);
	_ =	sdelay $0x1  }
0x105: {  	[tilespmem:s28+$0xB030] =	vst v2  }
0x106: {  	[tilespmem:s26+$0x9830] =	vst v5  }
0x107: {  	v2 =	vld.idx.msk [tilespmem:v5+s5+$0x0], $0xffff;
	_ =	sdelay $0x4  }
0x108: {  	[tilespmem:s26+$0xA030] =	vst v2  }
0x109: {  	v2 =	vld.idx.msk [tilespmem:v5+s19+$0x0], $0xffff;
	_ =	sdelay $0x4  }
0x10a: {  	[tilespmem:s26+$0xA830] =	vst v2  }
0x10b: {  	v2 =	vld.idx.msk [tilespmem:v5+s20+$0x0], $0xffff;
	_ =	sdelay $0x2  }
0x10c: {  	vm13 =	vle.f32 v1, v14  }
0x10d: {  	v1 =	vsel vm13, v1, v14  }
0x10e: {  	vm15 =	vle.f32 v10, v16;
	vm14 =	vle.f32 v0, v18;
	v3 =	vsel vm13, v4, v15;
	[tilespmem:s26+$0xB030] =	vst v2  }
0x10f: {  	v0 =	vsel vm14, v0, v18;
	(xrf1) =	vsort.ascd.msk.f32 $0xffff, v1, v3;
	v2 =	vsel vm14, v6, v19;
	[tilespmem:s25+$0x9830] =	vst v62  }
0x110: {  	v1 =	vsel vm15, v10, v16;
	(xrf1) =	vsort.ascd.msk.f32 $0xffff, v0, v2;
	v0 =	vsel vm15, v11, v17;
	v2 =	vld.idx.msk [tilespmem:v62+s5+$0x0], $0xffff  }
0x111: {  	(xrf1) =	vsort.ascd.msk.f32 $0xffff, v1, v0;
	_ =	sdelay $0x3  }
0x112: {  	[tilespmem:s25+$0xA030] =	vst v2  }
0x113: {  	v0 =	vld.idx.msk [tilespmem:v62+s19+$0x0], $0xffff;
	_ =	sdelay $0x4  }
0x114: {  	[tilespmem:s25+$0xA830] =	vst v0  }
0x115: {  	v0 =	vld.idx.msk [tilespmem:v62+s20+$0x0], $0xffff  }
0x116: {  	v1, v2, _ =	vpop (xrf1)  }
0x117: {  	v1, v3, _ =	vpop (xrf1)  }
0x118: {  	v1, v4, _ =	vpop (xrf1);
	_ =	sdelay $0x1  }
0x119: {  	[tilespmem:s25+$0xB030] =	vst v0  }
0x11a: {  	[tilespmem:s24+$0x9830] =	vst v4  }
0x11b: {  	v0 =	vld.idx.msk [tilespmem:v4+s5+$0x0], $0xffff;
	_ =	sdelay $0x4  }
0x11c: {  	[tilespmem:s24+$0xA030] =	vst v0  }
0x11d: {  	v0 =	vld.idx.msk [tilespmem:v4+s19+$0x0], $0xffff;
	_ =	sdelay $0x4  }
0x11e: {  	[tilespmem:s24+$0xA830] =	vst v0  }
0x11f: {  	v0 =	vld.idx.msk [tilespmem:v4+s20+$0x0], $0xffff;
	_ =	sdelay $0x4  }
0x120: {  	[tilespmem:s24+$0xB030] =	vst v0  }
0x121: {  	[tilespmem:s23+$0x9830] =	vst v2  }
0x122: {  	v0 =	vld.idx.msk [tilespmem:v2+s5+$0x0], $0xffff;
	_ =	sdelay $0x4  }
0x123: {  	[tilespmem:s23+$0xA030] =	vst v0  }
0x124: {  	v0 =	vld.idx.msk [tilespmem:v2+s19+$0x0], $0xffff;
	_ =	sdelay $0x4  }
0x125: {  	[tilespmem:s23+$0xA830] =	vst v0  }
0x126: {  	v0 =	vld.idx.msk [tilespmem:v2+s20+$0x0], $0xffff;
	_ =	sdelay $0x4  }
0x127: {  	[tilespmem:s23+$0xB030] =	vst v0  }
0x128: {  	[tilespmem:s22+$0x9830] =	vst v21  }
0x129: {  	v0 =	vld.idx.msk [tilespmem:v21+s5+$0x0], $0xffff;
	_ =	sdelay $0x4  }
0x12a: {  	[tilespmem:s22+$0xA030] =	vst v0  }
0x12b: {  	v0 =	vld.idx.msk [tilespmem:v21+s19+$0x0], $0xffff;
	_ =	sdelay $0x4  }
0x12c: {  	[tilespmem:s22+$0xA830] =	vst v0  }
0x12d: {  	v0 =	vld.idx.msk [tilespmem:v21+s20+$0x0], $0xffff;
	_ =	sdelay $0x4  }
0x12e: {  	[tilespmem:s22+$0xB030] =	vst v0  }
0x12f: {  	[tilespmem:s21+$0x9830] =	vst v3  }
0x130: {  	v0 =	vld.idx.msk [tilespmem:v3+s5+$0x0], $0xffff;
	_ =	sdelay $0x4  }
0x131: {  	[tilespmem:s21+$0xA030] =	vst v0  }
0x132: {  	v0 =	vld.idx.msk [tilespmem:v3+s19+$0x0], $0xffff;
	_ =	sdelay $0x4  }
0x133: {  	s0 =	sadd.s32 $0x1, s0;
	[tilespmem:s21+$0xA830] =	vst v0  }
0x134: {  	p0 =	sne.s32 s0, $0x10;
	v0 =	vld.idx.msk [tilespmem:v3+s20+$0x0], $0xffff  }
.Ltmp1:
0x135: {  	_ = 	snop;
	(pc) =	sbr.rel @p0 .LBB2_2-.Ltmp1, $2  }
0x136: {  	_ =	sdelay $0x2  }
0x137: {  	v3 =	vlaneseq.u32;
	[tilespmem:s21+$0xB030] =	vst v0  }
0x138: {  	s0 =	simm.s32 $0x9830  }
0x139: {  	[hbm4b:s13+s5] =	stream.linear.scatter [tilespmem:s0], [sflag:$0x1], $0x800, $0x38;
	[tilespmem:$0xB830] =	vst v63  }
0x13a: {  	_ =	swait.ge [sflag:s18], $0x800  }
0x13b: {  	[sflag:s18] =	ssyncset.done $0x0  }
0x13c: {  	s29 =	simm.s32 $0xA030;
	[sflag:s18] =	ssyncadd.s32 $0xFFFFF800  }
0x13d: {  	[hbm4b:s14+s5] =	stream.linear.scatter [tilespmem:s29], [sflag:$0x1], $0x800, $0x38;
	[tilespmem:$0xB830] =	vst v63  }
0x13e: {  	_ =	swait.ge [sflag:s18], $0x800  }
0x13f: {  	[sflag:s18] =	ssyncset.done $0x0  }
0x140: {  	s30 =	simm.s32 $0xA830;
	[sflag:s18] =	ssyncadd.s32 $0xFFFFF800  }
0x141: {  	[hbm4b:s15+s5] =	stream.linear.scatter [tilespmem:s30], [sflag:$0x1], $0x800, $0x38;
	[tilespmem:$0xB830] =	vst v63  }
0x142: {  	s4 =	sadd.s32 $0x1, s4;
	_ =	swait.ge [sflag:s18], $0x800  }
0x143: {  	p0 =	sne.s32 s4, s17;
	[sflag:s18] =	ssyncset.done $0x0  }
.Ltmp2:
0x144: {  	s31 =	simm.s32 $0xB030;
	[sflag:s18] =	ssyncadd.s32 $0xFFFFF800;
	(pc) =	sbr.rel @p0 .LBB2_1-.Ltmp2, $4  }
0x145: {  	[hbm4b:s16+s5] =	stream.linear.scatter [tilespmem:s31], [sflag:$0x1], $0x800, $0x38;
	[tilespmem:$0xB830] =	vst v63  }
0x146: {  	_ =	swait.ge [sflag:s18], $0x800  }
0x147: {  	[sflag:s18] =	ssyncset.done $0x0  }
0x148: {  	[sflag:s18] =	ssyncadd.s32 $0xFFFFF800  }
0x149: {  	_ =	sfence.sel $0x180000  }
0x14a: {  	[bflag:$0x0] =	sbarrier.arrive $0xFFFF  }
0x14b: {  	_ =	strace $0x90000047  }
0x14c: {  	s0 =	stileid.u32;
	[bflag:$0x2] =	sbarrier.arrive $0xFFFF  }
0x14d: {  	p0 =	sne.s32 s0, $0x0;
	s0 =	rddreg [dreg:$0x7]  }
0x14e: {  	s0 =	sadd.s32 @!p0 $0x100000, s0  }
0x14f: {  	[sflag:s0] =	ssyncadd.tile.s32 @!p0 $0x1;
	_ =	shalt  }
.Lfunc_end2:
_tile_overlayer_lowered:
.L_overlay_start_2:
0x150: {  	(tag) =	ssettag $0x2  }
0x151: {  	s0 =	rddreg [dreg:$0x0];
	s2 =	stileid.u32  }
0x152: {  	s1 =	rddreg [dreg:$0x1];
	p0 =	sne.s32 s2, $0x0  }
0x153: {  	s3 =	rddreg [dreg:$0x2];
	[bflag:$0x3] =	sbarrier.arrive $0xFFFF;
	s2 =	simm.s32 @!p0 $0x1C01  }
0x154: {  	[timem:s3], [sflag:s2] =	dma.local @!p0 [hbm:s0], s1  }
0x155: {  	s0 =	simm.s32 @!p0 $0x1  }
0x156: {  	_ =	swait.ge @!p0 [sflag:s0], s1  }
0x157: {  	s1 =	ssub.s32 @!p0 $0x0, s1;
	[sflag:s0] =	ssyncset.done @!p0 $0x0  }
0x158: {  	[sflag:s0] =	ssyncadd.s32 @!p0 s1  }
0x159: {  	[bflag:$0x3] =	sbarrier.arrive $0xFFFF  }
0x15a: {  	_ =	shalt  }

</sc_bundles>
